<compile_context>
chip_gen: v7x
topology: tpu7x:2x2x1
jax: 0.10.2.dev20260603
libtpu: 0.0.44.dev20260713+nightly
codegen_flags: <defaults>
</compile_context>

<pallas_src>
import functools

import jax
import jax.numpy as jnp
from jax import lax
from jax.experimental import pallas as pl
from jax.experimental.pallas import tpu as pltpu
from jax.experimental.pallas import tpu_sc as plsc

NC = 2
NS = 16
NW = NC * NS


def _matmul2(x, w_stack, V, D, H, bv):
    nb = V // bv

    def body(x_ref, w_ref, o_ref):
        o_ref[...] = jnp.dot(x_ref[...], w_ref[0],
                             preferred_element_type=jnp.float32)

    return pl.pallas_call(
        body,
        grid=(2, nb),
        in_specs=[
            pl.BlockSpec((bv, D), lambda t, i: (i, 0)),
            pl.BlockSpec((1, D, H), lambda t, i: (t, 0, 0)),
        ],
        out_specs=pl.BlockSpec((bv, H), lambda t, i, _nb=nb: (t * _nb + i, 0)),
        out_shape=jax.ShapeDtypeStruct((2 * V, H), jnp.float32),
    )(x, w_stack)


def _sc_segment_sum(y, src, tgt, Vp, H, K, nch):
    ept = nch * K
    rpt = Vp // NS
    zr = 64
    nz = rpt // zr
    npair = nch // 2

    mesh = plsc.VectorSubcoreMesh(core_axis_name="c", subcore_axis_name="s",
                                  num_cores=NC, num_subcores=NS)

    @functools.partial(
        pl.kernel,
        out_type=jax.ShapeDtypeStruct((NC * Vp, H), jnp.float32),
        mesh=mesh,
        scratch_types=[
            [pltpu.VMEM((K,), jnp.int32)] * 2,
            [pltpu.VMEM((K,), jnp.int32)] * 2,
            [pltpu.VMEM((K, H), jnp.float32)] * 2,
            pltpu.VMEM((zr, H), jnp.float32),
            pltpu.VMEM_SHARED((Vp, H), jnp.float32),
            [pltpu.SemaphoreType.DMA] * 2,
            [pltpu.SemaphoreType.DMA] * 2,
            [pltpu.SemaphoreType.DMA] * 2,
        ],
    )
    def body(y_hbm, src_hbm, tgt_hbm, out_hbm,
             sidx, tidx, rows, zbuf, acc, isem, gsem, ssem):
        c = lax.axis_index("c")
        s = lax.axis_index("s")
        wid = s * NC + c
        ebase = wid * ept

        def idx_start(b, i):
            base = ebase + i * K
            pltpu.make_async_copy(
                src_hbm.at[pl.ds(base, K)], sidx[b], isem[b]).start()
            pltpu.make_async_copy(
                tgt_hbm.at[pl.ds(base, K)], tidx[b], isem[b]).start()

        def idx_wait(b):
            pltpu.make_async_copy(
                src_hbm.at[pl.ds(0, K)], sidx[b], isem[b]).wait()
            pltpu.make_async_copy(
                tgt_hbm.at[pl.ds(0, K)], tidx[b], isem[b]).wait()

        def gather_start(b):
            pltpu.make_async_copy(y_hbm.at[sidx[b]], rows[b], gsem[b]).start()

        def gather_wait(b):
            pltpu.make_async_copy(y_hbm.at[sidx[b]], rows[b], gsem[b]).wait()

        def scat_start(b):
            pltpu.make_async_copy(
                rows[b], acc.at[tidx[b]], ssem[b]).start(add=True)

        def scat_wait(b):
            pltpu.make_async_copy(rows[b], acc.at[tidx[b]], ssem[b]).wait()

        idx_start(0, 0)
        idx_start(1, 1)

        def zrow(r, t):
            for j in range(H // 16):
                zbuf[r, pl.ds(j * 16, 16)] = jnp.zeros((16,), jnp.float32)
            return t
        lax.fori_loop(0, zr, zrow, 0)
        for k in range(nz):
            pltpu.sync_copy(zbuf, acc.at[pl.ds(s * rpt + k * zr, zr)])

        idx_wait(0)
        gather_start(0)
        idx_wait(1)
        gather_start(1)
        plsc.subcore_barrier()

        def pair(p, t):
            for b in range(2):
                i = 2 * p + b
                gather_wait(b)
                scat_start(b)
                idx_start(b, i + 2)
                scat_wait(b)
                idx_wait(b)
                gather_start(b)
            return t
        lax.fori_loop(0, npair, pair, 0)

        gather_wait(0)
        gather_wait(1)
        plsc.subcore_barrier()

        pltpu.sync_copy(acc.at[pl.ds(s * rpt, rpt)],
                        out_hbm.at[pl.ds(c * Vp + s * rpt, rpt)])

    return body(y, src, tgt)


def _add_relu(p, V, H, bv):
    def body(p_ref, o_ref):
        o_ref[...] = jnp.maximum(p_ref[0] + p_ref[1], 0.0)

    return pl.pallas_call(
        body,
        grid=(V // bv,),
        in_specs=[pl.BlockSpec((2, bv, H), lambda i: (0, i, 0))],
        out_specs=pl.BlockSpec((bv, H), lambda i: (i, 0)),
        out_shape=jax.ShapeDtypeStruct((V, H), jnp.float32),
    )(p)


def kernel(node_embeddings, adjacency_list_0, adjacency_list_1, W0, W1):
    V, D = node_embeddings.shape
    H = W0.shape[1]
    E = adjacency_list_0.shape[0]

    Vp = 10240
    K = 128
    ET = 2 * E
    nch = -(-ET // (NW * K))
    nch += nch % 2
    ept = nch * K
    nreal = ET // NW
    ndum = ept - nreal

    src = jnp.concatenate([adjacency_list_0[:, 0], adjacency_list_1[:, 0] + V])
    tgt = jnp.concatenate([adjacency_list_0[:, 1], adjacency_list_1[:, 1]])
    dum_src = ((jnp.arange(NW, dtype=jnp.int32)[:, None] * ndum
                + jnp.arange(ndum, dtype=jnp.int32)[None, :]) * 61) % V
    _rpt = (Vp - V) // NS
    dum_tgt = (V + (jnp.arange(NW, dtype=jnp.int32)[:, None] // NC) * _rpt
               + (jnp.arange(ndum, dtype=jnp.int32)[None, :] % _rpt))
    tail = jnp.zeros((2 * K,), jnp.int32)
    src = jnp.concatenate(
        [jnp.concatenate([src.reshape(NW, nreal), dum_src], axis=1).reshape(-1),
         tail])
    tgt = jnp.concatenate(
        [jnp.concatenate([tgt.reshape(NW, nreal), dum_tgt], axis=1).reshape(-1),
         tail])
    w_stack = jnp.stack([W0, W1])

    y = _matmul2(node_embeddings, w_stack, V, D, H, bv=2000)
    partials = _sc_segment_sum(y, src, tgt, Vp, H, K, nch)
    return _add_relu(partials.reshape(NC, Vp, H), V, H, bv=2000)

# --- scband reference (transcript-rebuilt; emitter-appended) ---
"""Pipeline reference for scband-message-passing-7507602833984 (READ-ONLY COPY).

The authoritative reference and input builder live on the scoring server;
editing this copy changes nothing except your own understanding.
"""

import jax, jax.numpy as jnp
import numpy as np

V = 10000
D = 128
H = 128
E = 160000


def setup_inputs(seed: int = 0) -> dict:
    key = jax.random.key(seed)
    k1, k2, k3, k4, k5 = jax.random.split(key, 5)
    node_embeddings = jax.random.normal(k1, (V, D), dtype=jnp.float32)
    adjacency_list_0 = jax.random.randint(k2, (E, 2), 0, V, dtype=jnp.int32)
    adjacency_list_1 = jax.random.randint(k3, (E, 2), 0, V, dtype=jnp.int32)
    # Learned per-edge-type message weights (concrete _message_function = linear, RGCN-style)
    W0 = jax.random.normal(k4, (D, H), dtype=jnp.float32) * 0.05
    W1 = jax.random.normal(k5, (D, H), dtype=jnp.float32) * 0.05
    return {
        "node_embeddings": node_embeddings,
        "adjacency_list_0": adjacency_list_0,
        "adjacency_list_1": adjacency_list_1,
        "W0": W0,
        "W1": W1,
    }


def reference(node_embeddings, adjacency_list_0, adjacency_list_1, W0, W1):
    num_nodes = node_embeddings.shape[0]
    messages_per_type = []
    targets_per_type = []
    for adj, W in ((adjacency_list_0, W0), (adjacency_list_1, W1)):
        edge_sources = adj[:, 0]
        edge_targets = adj[:, 1]
        edge_source_states = jnp.take(node_embeddings, edge_sources, axis=0)  # [E, D]
        messages = edge_source_states @ W  # [E, H] _message_function
        messages_per_type.append(messages)
        targets_per_type.append(edge_targets)
    message_targets = jnp.concatenate(targets_per_type, axis=0)
    messages = jnp.concatenate(messages_per_type, axis=0)
    # aggregation_function = 'sum'
    aggregated_messages = jax.ops.segment_sum(messages, message_targets, num_segments=num_nodes)
    # message_activation_before_aggregation = False -> activation after aggregation
    new_node_states = jax.nn.relu(aggregated_messages)
    return new_node_states

if __name__ == "__main__":
    import jax
    _d = setup_inputs()
    print(jax.jit(kernel)(*tuple(_d.values())))

</pallas_src>

<mosaic_0001>
#map = affine_map<(d0, d1) -> (0, 0)>
#map1 = affine_map<(d0, d1) -> (0)>
module attributes {stable_mosaic.version = 14 : i64} {
  func.func @body(%arg0: i32, %arg1: i32, %arg2: memref<20000x128xf32, #tpu.memory_space<hbm>>, %arg3: memref<327936xi32, #tpu.memory_space<hbm>>, %arg4: memref<327936xi32, #tpu.memory_space<hbm>>, %arg5: memref<20480x128xf32, #tpu.memory_space<hbm>>, %arg6: memref<128xi32, #tpu.memory_space<vmem>>, %arg7: memref<128xi32, #tpu.memory_space<vmem>>, %arg8: memref<128xi32, #tpu.memory_space<vmem>>, %arg9: memref<128xi32, #tpu.memory_space<vmem>>, %arg10: memref<128x128xf32, #tpu.memory_space<vmem>>, %arg11: memref<128x128xf32, #tpu.memory_space<vmem>>, %arg12: memref<64x128xf32, #tpu.memory_space<vmem>>, %arg13: memref<10240x128xf32, #tpu.memory_space<vmem_shared>>, %arg14: memref<!tpu.dma_semaphore, #tpu.memory_space<semaphore_mem>>, %arg15: memref<!tpu.dma_semaphore, #tpu.memory_space<semaphore_mem>>, %arg16: memref<!tpu.dma_semaphore, #tpu.memory_space<semaphore_mem>>, %arg17: memref<!tpu.dma_semaphore, #tpu.memory_space<semaphore_mem>>, %arg18: memref<!tpu.dma_semaphore, #tpu.memory_space<semaphore_mem>>, %arg19: memref<!tpu.dma_semaphore, #tpu.memory_space<semaphore_mem>>) attributes {dimension_semantics = [#tpu.dimension_semantics<core_parallel>, #tpu.dimension_semantics<subcore_parallel>], iteration_bounds = array<i64: 2, 16>, scalar_prefetch = 0 : i64, scratch_operands = 14 : i64, tpu.core_type = #tpu.core_type<sc_vector_subcore>, window_params = [{transform_indices = #map}, {transform_indices = #map1}, {transform_indices = #map1}, {transform_indices = #map}]} {
    %mul3A = arith.constant 2 : i32
    %mul3A_0 = arith.muli %arg1, %mul3A : i32
    %add3A = arith.addi %mul3A_0, %arg0 : i32
    %mul3A_1 = arith.constant 10240 : i32
    %mul3A_2 = arith.muli %add3A, %mul3A_1 : i32
    %add3A_3 = arith.constant 0 : i32
    %add3A_4 = arith.addi %mul3A_2, %add3A_3 : i32
    %dma_start3A = tpu.memref_slice %arg3[%add3A_4] : memref<327936xi32, #tpu.memory_space<hbm>> -> memref<128xi32, #tpu.memory_space<hbm>>
    %dma_start3A_5 = tpu.memref_slice %arg3[%add3A_4] : memref<327936xi32, #tpu.memory_space<hbm>> -> memref<128xi32, #tpu.memory_space<hbm>>
    tpu.enqueue_dma source(%dma_start3A_5 : memref<128xi32, #tpu.memory_space<hbm>>) target(%arg6 : memref<128xi32, #tpu.memory_space<vmem>>) target_semaphore(%arg14 : memref<!tpu.dma_semaphore, #tpu.memory_space<semaphore_mem>>)
    %dma_start3A_6 = tpu.memref_slice %arg4[%add3A_4] : memref<327936xi32, #tpu.memory_space<hbm>> -> memref<128xi32, #tpu.memory_space<hbm>>
    %dma_start3A_7 = tpu.memref_slice %arg4[%add3A_4] : memref<327936xi32, #tpu.memory_space<hbm>> -> memref<128xi32, #tpu.memory_space<hbm>>
    tpu.enqueue_dma source(%dma_start3A_7 : memref<128xi32, #tpu.memory_space<hbm>>) target(%arg8 : memref<128xi32, #tpu.memory_space<vmem>>) target_semaphore(%arg14 : memref<!tpu.dma_semaphore, #tpu.memory_space<semaphore_mem>>)
    %add3A_8 = arith.constant 128 : i32
    %add3A_9 = arith.addi %mul3A_2, %add3A_8 : i32
    %dma_start3A_10 = tpu.memref_slice %arg3[%add3A_9] : memref<327936xi32, #tpu.memory_space<hbm>> -> memref<128xi32, #tpu.memory_space<hbm>>
    %dma_start3A_11 = tpu.memref_slice %arg3[%add3A_9] : memref<327936xi32, #tpu.memory_space<hbm>> -> memref<128xi32, #tpu.memory_space<hbm>>
    tpu.enqueue_dma source(%dma_start3A_11 : memref<128xi32, #tpu.memory_space<hbm>>) target(%arg7 : memref<128xi32, #tpu.memory_space<vmem>>) target_semaphore(%arg15 : memref<!tpu.dma_semaphore, #tpu.memory_space<semaphore_mem>>)
    %dma_start3A_12 = tpu.memref_slice %arg4[%add3A_9] : memref<327936xi32, #tpu.memory_space<hbm>> -> memref<128xi32, #tpu.memory_space<hbm>>
    %dma_start3A_13 = tpu.memref_slice %arg4[%add3A_9] : memref<327936xi32, #tpu.memory_space<hbm>> -> memref<128xi32, #tpu.memory_space<hbm>>
    tpu.enqueue_dma source(%dma_start3A_13 : memref<128xi32, #tpu.memory_space<hbm>>) target(%arg9 : memref<128xi32, #tpu.memory_space<vmem>>) target_semaphore(%arg15 : memref<!tpu.dma_semaphore, #tpu.memory_space<semaphore_mem>>)
    %scan3A = arith.constant 0 : i32
    %scan3A_14 = arith.constant 0 : i32
    %scan3A_15 = arith.constant 64 : i32
    %scan3A_16 = arith.addi %scan3A_14, %scan3A_15 : i32
    %scan3A_17 = arith.constant 1 : i32
    scf.for %scan3A_100 = %scan3A_14 to %scan3A_16 step %scan3A_17  : i32 {
      %broadcast_in_dim3A = arith.constant 0.000000e+00 : f32
      %broadcast_in_dim3A_101 = vector.broadcast %broadcast_in_dim3A : f32 to vector<16xf32>
      %swap3A = arith.index_cast %scan3A_100 : i32 to index
      %swap3A_102 = arith.constant 0 : index
      %swap3A_103 = tpu.vector_load %arg12[%swap3A, %swap3A_102] {strides = array<i32>} : memref<64x128xf32, #tpu.memory_space<vmem>>, vector<1x16xf32>,
      %swap3A_104 = vector.shape_cast %swap3A_103 : vector<1x16xf32> to vector<16xf32>
      %swap3A_105 = vector.shape_cast %broadcast_in_dim3A_101 : vector<16xf32> to vector<1x16xf32>
      tpu.vector_store %arg12[%swap3A, %swap3A_102], %swap3A_105 {strides = array<i32>} : memref<64x128xf32, #tpu.memory_space<vmem>>, vector<1x16xf32>,
      %broadcast_in_dim3A_106 = arith.constant 0.000000e+00 : f32
      %broadcast_in_dim3A_107 = vector.broadcast %broadcast_in_dim3A_106 : f32 to vector<16xf32>
      %swap3A_108 = arith.index_cast %scan3A_100 : i32 to index
      %swap3A_109 = arith.constant 16 : index
      %swap3A_110 = tpu.vector_load %arg12[%swap3A_108, %swap3A_109] {strides = array<i32>} : memref<64x128xf32, #tpu.memory_space<vmem>>, vector<1x16xf32>,
      %swap3A_111 = vector.shape_cast %swap3A_110 : vector<1x16xf32> to vector<16xf32>
      %swap3A_112 = vector.shape_cast %broadcast_in_dim3A_107 : vector<16xf32> to vector<1x16xf32>
      tpu.vector_store %arg12[%swap3A_108, %swap3A_109], %swap3A_112 {strides = array<i32>} : memref<64x128xf32, #tpu.memory_space<vmem>>, vector<1x16xf32>,
      %broadcast_in_dim3A_113 = arith.constant 0.000000e+00 : f32
      %broadcast_in_dim3A_114 = vector.broadcast %broadcast_in_dim3A_113 : f32 to vector<16xf32>
      %swap3A_115 = arith.index_cast %scan3A_100 : i32 to index
      %swap3A_116 = arith.constant 32 : index
      %swap3A_117 = tpu.vector_load %arg12[%swap3A_115, %swap3A_116] {strides = array<i32>} : memref<64x128xf32, #tpu.memory_space<vmem>>, vector<1x16xf32>,
      %swap3A_118 = vector.shape_cast %swap3A_117 : vector<1x16xf32> to vector<16xf32>
      %swap3A_119 = vector.shape_cast %broadcast_in_dim3A_114 : vector<16xf32> to vector<1x16xf32>
      tpu.vector_store %arg12[%swap3A_115, %swap3A_116], %swap3A_119 {strides = array<i32>} : memref<64x128xf32, #tpu.memory_space<vmem>>, vector<1x16xf32>,
      %broadcast_in_dim3A_120 = arith.constant 0.000000e+00 : f32
      %broadcast_in_dim3A_121 = vector.broadcast %broadcast_in_dim3A_120 : f32 to vector<16xf32>
      %swap3A_122 = arith.index_cast %scan3A_100 : i32 to index
      %swap3A_123 = arith.constant 48 : index
      %swap3A_124 = tpu.vector_load %arg12[%swap3A_122, %swap3A_123] {strides = array<i32>} : memref<64x128xf32, #tpu.memory_space<vmem>>, vector<1x16xf32>,
      %swap3A_125 = vector.shape_cast %swap3A_124 : vector<1x16xf32> to vector<16xf32>
      %swap3A_126 = vector.shape_cast %broadcast_in_dim3A_121 : vector<16xf32> to vector<1x16xf32>
      tpu.vector_store %arg12[%swap3A_122, %swap3A_123], %swap3A_126 {strides = array<i32>} : memref<64x128xf32, #tpu.memory_space<vmem>>, vector<1x16xf32>,
      %broadcast_in_dim3A_127 = arith.constant 0.000000e+00 : f32
      %broadcast_in_dim3A_128 = vector.broadcast %broadcast_in_dim3A_127 : f32 to vector<16xf32>
      %swap3A_129 = arith.index_cast %scan3A_100 : i32 to index
      %swap3A_130 = arith.constant 64 : index
      %swap3A_131 = tpu.vector_load %arg12[%swap3A_129, %swap3A_130] {strides = array<i32>} : memref<64x128xf32, #tpu.memory_space<vmem>>, vector<1x16xf32>,
      %swap3A_132 = vector.shape_cast %swap3A_131 : vector<1x16xf32> to vector<16xf32>
      %swap3A_133 = vector.shape_cast %broadcast_in_dim3A_128 : vector<16xf32> to vector<1x16xf32>
      tpu.vector_store %arg12[%swap3A_129, %swap3A_130], %swap3A_133 {strides = array<i32>} : memref<64x128xf32, #tpu.memory_space<vmem>>, vector<1x16xf32>,
      %broadcast_in_dim3A_134 = arith.constant 0.000000e+00 : f32
      %broadcast_in_dim3A_135 = vector.broadcast %broadcast_in_dim3A_134 : f32 to vector<16xf32>
      %swap3A_136 = arith.index_cast %scan3A_100 : i32 to index
      %swap3A_137 = arith.constant 80 : index
      %swap3A_138 = tpu.vector_load %arg12[%swap3A_136, %swap3A_137] {strides = array<i32>} : memref<64x128xf32, #tpu.memory_space<vmem>>, vector<1x16xf32>,
      %swap3A_139 = vector.shape_cast %swap3A_138 : vector<1x16xf32> to vector<16xf32>
      %swap3A_140 = vector.shape_cast %broadcast_in_dim3A_135 : vector<16xf32> to vector<1x16xf32>
      tpu.vector_store %arg12[%swap3A_136, %swap3A_137], %swap3A_140 {strides = array<i32>} : memref<64x128xf32, #tpu.memory_space<vmem>>, vector<1x16xf32>,
      %broadcast_in_dim3A_141 = arith.constant 0.000000e+00 : f32
      %broadcast_in_dim3A_142 = vector.broadcast %broadcast_in_dim3A_141 : f32 to vector<16xf32>
      %swap3A_143 = arith.index_cast %scan3A_100 : i32 to index
      %swap3A_144 = arith.constant 96 : index
      %swap3A_145 = tpu.vector_load %arg12[%swap3A_143, %swap3A_144] {strides = array<i32>} : memref<64x128xf32, #tpu.memory_space<vmem>>, vector<1x16xf32>,
      %swap3A_146 = vector.shape_cast %swap3A_145 : vector<1x16xf32> to vector<16xf32>
      %swap3A_147 = vector.shape_cast %broadcast_in_dim3A_142 : vector<16xf32> to vector<1x16xf32>
      tpu.vector_store %arg12[%swap3A_143, %swap3A_144], %swap3A_147 {strides = array<i32>} : memref<64x128xf32, #tpu.memory_space<vmem>>, vector<1x16xf32>,
      %broadcast_in_dim3A_148 = arith.constant 0.000000e+00 : f32
      %broadcast_in_dim3A_149 = vector.broadcast %broadcast_in_dim3A_148 : f32 to vector<16xf32>
      %swap3A_150 = arith.index_cast %scan3A_100 : i32 to index
      %swap3A_151 = arith.constant 112 : index
      %swap3A_152 = tpu.vector_load %arg12[%swap3A_150, %swap3A_151] {strides = array<i32>} : memref<64x128xf32, #tpu.memory_space<vmem>>, vector<1x16xf32>,
      %swap3A_153 = vector.shape_cast %swap3A_152 : vector<1x16xf32> to vector<16xf32>
      %swap3A_154 = vector.shape_cast %broadcast_in_dim3A_149 : vector<16xf32> to vector<1x16xf32>
      tpu.vector_store %arg12[%swap3A_150, %swap3A_151], %swap3A_154 {strides = array<i32>} : memref<64x128xf32, #tpu.memory_space<vmem>>, vector<1x16xf32>,
    }
    %scan3A_18 = arith.constant 64 : i32
    %mul3A_19 = arith.constant 640 : i32
    %mul3A_20 = arith.muli %arg1, %mul3A_19 : i32
    %add3A_21 = arith.constant 0 : i32
    %add3A_22 = arith.addi %mul3A_20, %add3A_21 : i32
    "tpu.region"() ({
      %run_scoped3A = tpu.sem_alloc : memref<!tpu.dma_semaphore, #tpu.memory_space<semaphore_mem>>
      %dma_start3A_100 = arith.constant 0 : i32
      %dma_start3A_101 = tpu.memref_slice %arg13[%add3A_22, %dma_start3A_100] : memref<10240x128xf32, #tpu.memory_space<vmem_shared>> -> memref<64x128xf32, #tpu.memory_space<vmem_shared>>
      %dma_start3A_102 = arith.constant 0 : i32
      %dma_start3A_103 = tpu.memref_slice %arg13[%add3A_22, %dma_start3A_102] : memref<10240x128xf32, #tpu.memory_space<vmem_shared>> -> memref<64x128xf32, #tpu.memory_space<vmem_shared>>
      tpu.enqueue_dma source(%arg12 : memref<64x128xf32, #tpu.memory_space<vmem>>) target(%dma_start3A_103 : memref<64x128xf32, #tpu.memory_space<vmem_shared>>) target_semaphore(%run_scoped3A : memref<!tpu.dma_semaphore, #tpu.memory_space<semaphore_mem>>)
      %dma_wait3A_104 = arith.constant 0 : i32
      %dma_wait3A_105 = tpu.memref_slice %arg13[%add3A_22, %dma_wait3A_104] : memref<10240x128xf32, #tpu.memory_space<vmem_shared>> -> memref<64x128xf32, #tpu.memory_space<vmem_shared>>
      %dma_wait3A_106 = arith.constant 0 : i32
      %dma_wait3A_107 = tpu.memref_slice %arg13[%add3A_22, %dma_wait3A_106] : memref<10240x128xf32, #tpu.memory_space<vmem_shared>> -> memref<64x128xf32, #tpu.memory_space<vmem_shared>>
      tpu.wait_dma2 semaphore(%run_scoped3A : memref<!tpu.dma_semaphore, #tpu.memory_space<semaphore_mem>>) src(%arg12 : memref<64x128xf32, #tpu.memory_space<vmem>>) dst(%dma_wait3A_107 : memref<64x128xf32, #tpu.memory_space<vmem_shared>>)
      tpu.yield
    }) : () -> ()
    %mul3A_23 = arith.constant 640 : i32
    %mul3A_24 = arith.muli %arg1, %mul3A_23 : i32
    %add3A_25 = arith.constant 64 : i32
    %add3A_26 = arith.addi %mul3A_24, %add3A_25 : i32
    "tpu.region"() ({
      %run_scoped3A = tpu.sem_alloc : memref<!tpu.dma_semaphore, #tpu.memory_space<semaphore_mem>>
      %dma_start3A_100 = arith.constant 0 : i32
      %dma_start3A_101 = tpu.memref_slice %arg13[%add3A_26, %dma_start3A_100] : memref<10240x128xf32, #tpu.memory_space<vmem_shared>> -> memref<64x128xf32, #tpu.memory_space<vmem_shared>>
      %dma_start3A_102 = arith.constant 0 : i32
      %dma_start3A_103 = tpu.memref_slice %arg13[%add3A_26, %dma_start3A_102] : memref<10240x128xf32, #tpu.memory_space<vmem_shared>> -> memref<64x128xf32, #tpu.memory_space<vmem_shared>>
      tpu.enqueue_dma source(%arg12 : memref<64x128xf32, #tpu.memory_space<vmem>>) target(%dma_start3A_103 : memref<64x128xf32, #tpu.memory_space<vmem_shared>>) target_semaphore(%run_scoped3A : memref<!tpu.dma_semaphore, #tpu.memory_space<semaphore_mem>>)
      %dma_wait3A_104 = arith.constant 0 : i32
      %dma_wait3A_105 = tpu.memref_slice %arg13[%add3A_26, %dma_wait3A_104] : memref<10240x128xf32, #tpu.memory_space<vmem_shared>> -> memref<64x128xf32, #tpu.memory_space<vmem_shared>>
      %dma_wait3A_106 = arith.constant 0 : i32
      %dma_wait3A_107 = tpu.memref_slice %arg13[%add3A_26, %dma_wait3A_106] : memref<10240x128xf32, #tpu.memory_space<vmem_shared>> -> memref<64x128xf32, #tpu.memory_space<vmem_shared>>
      tpu.wait_dma2 semaphore(%run_scoped3A : memref<!tpu.dma_semaphore, #tpu.memory_space<semaphore_mem>>) src(%arg12 : memref<64x128xf32, #tpu.memory_space<vmem>>) dst(%dma_wait3A_107 : memref<64x128xf32, #tpu.memory_space<vmem_shared>>)
      tpu.yield
    }) : () -> ()
    %mul3A_27 = arith.constant 640 : i32
    %mul3A_28 = arith.muli %arg1, %mul3A_27 : i32
    %add3A_29 = arith.constant 128 : i32
    %add3A_30 = arith.addi %mul3A_28, %add3A_29 : i32
    "tpu.region"() ({
      %run_scoped3A = tpu.sem_alloc : memref<!tpu.dma_semaphore, #tpu.memory_space<semaphore_mem>>
      %dma_start3A_100 = arith.constant 0 : i32
      %dma_start3A_101 = tpu.memref_slice %arg13[%add3A_30, %dma_start3A_100] : memref<10240x128xf32, #tpu.memory_space<vmem_shared>> -> memref<64x128xf32, #tpu.memory_space<vmem_shared>>
      %dma_start3A_102 = arith.constant 0 : i32
      %dma_start3A_103 = tpu.memref_slice %arg13[%add3A_30, %dma_start3A_102] : memref<10240x128xf32, #tpu.memory_space<vmem_shared>> -> memref<64x128xf32, #tpu.memory_space<vmem_shared>>
      tpu.enqueue_dma source(%arg12 : memref<64x128xf32, #tpu.memory_space<vmem>>) target(%dma_start3A_103 : memref<64x128xf32, #tpu.memory_space<vmem_shared>>) target_semaphore(%run_scoped3A : memref<!tpu.dma_semaphore, #tpu.memory_space<semaphore_mem>>)
      %dma_wait3A_104 = arith.constant 0 : i32
      %dma_wait3A_105 = tpu.memref_slice %arg13[%add3A_30, %dma_wait3A_104] : memref<10240x128xf32, #tpu.memory_space<vmem_shared>> -> memref<64x128xf32, #tpu.memory_space<vmem_shared>>
      %dma_wait3A_106 = arith.constant 0 : i32
      %dma_wait3A_107 = tpu.memref_slice %arg13[%add3A_30, %dma_wait3A_106] : memref<10240x128xf32, #tpu.memory_space<vmem_shared>> -> memref<64x128xf32, #tpu.memory_space<vmem_shared>>
      tpu.wait_dma2 semaphore(%run_scoped3A : memref<!tpu.dma_semaphore, #tpu.memory_space<semaphore_mem>>) src(%arg12 : memref<64x128xf32, #tpu.memory_space<vmem>>) dst(%dma_wait3A_107 : memref<64x128xf32, #tpu.memory_space<vmem_shared>>)
      tpu.yield
    }) : () -> ()
    %mul3A_31 = arith.constant 640 : i32
    %mul3A_32 = arith.muli %arg1, %mul3A_31 : i32
    %add3A_33 = arith.constant 192 : i32
    %add3A_34 = arith.addi %mul3A_32, %add3A_33 : i32
    "tpu.region"() ({
      %run_scoped3A = tpu.sem_alloc : memref<!tpu.dma_semaphore, #tpu.memory_space<semaphore_mem>>
      %dma_start3A_100 = arith.constant 0 : i32
      %dma_start3A_101 = tpu.memref_slice %arg13[%add3A_34, %dma_start3A_100] : memref<10240x128xf32, #tpu.memory_space<vmem_shared>> -> memref<64x128xf32, #tpu.memory_space<vmem_shared>>
      %dma_start3A_102 = arith.constant 0 : i32
      %dma_start3A_103 = tpu.memref_slice %arg13[%add3A_34, %dma_start3A_102] : memref<10240x128xf32, #tpu.memory_space<vmem_shared>> -> memref<64x128xf32, #tpu.memory_space<vmem_shared>>
      tpu.enqueue_dma source(%arg12 : memref<64x128xf32, #tpu.memory_space<vmem>>) target(%dma_start3A_103 : memref<64x128xf32, #tpu.memory_space<vmem_shared>>) target_semaphore(%run_scoped3A : memref<!tpu.dma_semaphore, #tpu.memory_space<semaphore_mem>>)
      %dma_wait3A_104 = arith.constant 0 : i32
      %dma_wait3A_105 = tpu.memref_slice %arg13[%add3A_34, %dma_wait3A_104] : memref<10240x128xf32, #tpu.memory_space<vmem_shared>> -> memref<64x128xf32, #tpu.memory_space<vmem_shared>>
      %dma_wait3A_106 = arith.constant 0 : i32
      %dma_wait3A_107 = tpu.memref_slice %arg13[%add3A_34, %dma_wait3A_106] : memref<10240x128xf32, #tpu.memory_space<vmem_shared>> -> memref<64x128xf32, #tpu.memory_space<vmem_shared>>
      tpu.wait_dma2 semaphore(%run_scoped3A : memref<!tpu.dma_semaphore, #tpu.memory_space<semaphore_mem>>) src(%arg12 : memref<64x128xf32, #tpu.memory_space<vmem>>) dst(%dma_wait3A_107 : memref<64x128xf32, #tpu.memory_space<vmem_shared>>)
      tpu.yield
    }) : () -> ()
    %mul3A_35 = arith.constant 640 : i32
    %mul3A_36 = arith.muli %arg1, %mul3A_35 : i32
    %add3A_37 = arith.constant 256 : i32
    %add3A_38 = arith.addi %mul3A_36, %add3A_37 : i32
    "tpu.region"() ({
      %run_scoped3A = tpu.sem_alloc : memref<!tpu.dma_semaphore, #tpu.memory_space<semaphore_mem>>
      %dma_start3A_100 = arith.constant 0 : i32
      %dma_start3A_101 = tpu.memref_slice %arg13[%add3A_38, %dma_start3A_100] : memref<10240x128xf32, #tpu.memory_space<vmem_shared>> -> memref<64x128xf32, #tpu.memory_space<vmem_shared>>
      %dma_start3A_102 = arith.constant 0 : i32
      %dma_start3A_103 = tpu.memref_slice %arg13[%add3A_38, %dma_start3A_102] : memref<10240x128xf32, #tpu.memory_space<vmem_shared>> -> memref<64x128xf32, #tpu.memory_space<vmem_shared>>
      tpu.enqueue_dma source(%arg12 : memref<64x128xf32, #tpu.memory_space<vmem>>) target(%dma_start3A_103 : memref<64x128xf32, #tpu.memory_space<vmem_shared>>) target_semaphore(%run_scoped3A : memref<!tpu.dma_semaphore, #tpu.memory_space<semaphore_mem>>)
      %dma_wait3A_104 = arith.constant 0 : i32
      %dma_wait3A_105 = tpu.memref_slice %arg13[%add3A_38, %dma_wait3A_104] : memref<10240x128xf32, #tpu.memory_space<vmem_shared>> -> memref<64x128xf32, #tpu.memory_space<vmem_shared>>
      %dma_wait3A_106 = arith.constant 0 : i32
      %dma_wait3A_107 = tpu.memref_slice %arg13[%add3A_38, %dma_wait3A_106] : memref<10240x128xf32, #tpu.memory_space<vmem_shared>> -> memref<64x128xf32, #tpu.memory_space<vmem_shared>>
      tpu.wait_dma2 semaphore(%run_scoped3A : memref<!tpu.dma_semaphore, #tpu.memory_space<semaphore_mem>>) src(%arg12 : memref<64x128xf32, #tpu.memory_space<vmem>>) dst(%dma_wait3A_107 : memref<64x128xf32, #tpu.memory_space<vmem_shared>>)
      tpu.yield
    }) : () -> ()
    %mul3A_39 = arith.constant 640 : i32
    %mul3A_40 = arith.muli %arg1, %mul3A_39 : i32
    %add3A_41 = arith.constant 320 : i32
    %add3A_42 = arith.addi %mul3A_40, %add3A_41 : i32
    "tpu.region"() ({
      %run_scoped3A = tpu.sem_alloc : memref<!tpu.dma_semaphore, #tpu.memory_space<semaphore_mem>>
      %dma_start3A_100 = arith.constant 0 : i32
      %dma_start3A_101 = tpu.memref_slice %arg13[%add3A_42, %dma_start3A_100] : memref<10240x128xf32, #tpu.memory_space<vmem_shared>> -> memref<64x128xf32, #tpu.memory_space<vmem_shared>>
      %dma_start3A_102 = arith.constant 0 : i32
      %dma_start3A_103 = tpu.memref_slice %arg13[%add3A_42, %dma_start3A_102] : memref<10240x128xf32, #tpu.memory_space<vmem_shared>> -> memref<64x128xf32, #tpu.memory_space<vmem_shared>>
      tpu.enqueue_dma source(%arg12 : memref<64x128xf32, #tpu.memory_space<vmem>>) target(%dma_start3A_103 : memref<64x128xf32, #tpu.memory_space<vmem_shared>>) target_semaphore(%run_scoped3A : memref<!tpu.dma_semaphore, #tpu.memory_space<semaphore_mem>>)
      %dma_wait3A_104 = arith.constant 0 : i32
      %dma_wait3A_105 = tpu.memref_slice %arg13[%add3A_42, %dma_wait3A_104] : memref<10240x128xf32, #tpu.memory_space<vmem_shared>> -> memref<64x128xf32, #tpu.memory_space<vmem_shared>>
      %dma_wait3A_106 = arith.constant 0 : i32
      %dma_wait3A_107 = tpu.memref_slice %arg13[%add3A_42, %dma_wait3A_106] : memref<10240x128xf32, #tpu.memory_space<vmem_shared>> -> memref<64x128xf32, #tpu.memory_space<vmem_shared>>
      tpu.wait_dma2 semaphore(%run_scoped3A : memref<!tpu.dma_semaphore, #tpu.memory_space<semaphore_mem>>) src(%arg12 : memref<64x128xf32, #tpu.memory_space<vmem>>) dst(%dma_wait3A_107 : memref<64x128xf32, #tpu.memory_space<vmem_shared>>)
      tpu.yield
    }) : () -> ()
    %mul3A_43 = arith.constant 640 : i32
    %mul3A_44 = arith.muli %arg1, %mul3A_43 : i32
    %add3A_45 = arith.constant 384 : i32
    %add3A_46 = arith.addi %mul3A_44, %add3A_45 : i32
    "tpu.region"() ({
      %run_scoped3A = tpu.sem_alloc : memref<!tpu.dma_semaphore, #tpu.memory_space<semaphore_mem>>
      %dma_start3A_100 = arith.constant 0 : i32
      %dma_start3A_101 = tpu.memref_slice %arg13[%add3A_46, %dma_start3A_100] : memref<10240x128xf32, #tpu.memory_space<vmem_shared>> -> memref<64x128xf32, #tpu.memory_space<vmem_shared>>
      %dma_start3A_102 = arith.constant 0 : i32
      %dma_start3A_103 = tpu.memref_slice %arg13[%add3A_46, %dma_start3A_102] : memref<10240x128xf32, #tpu.memory_space<vmem_shared>> -> memref<64x128xf32, #tpu.memory_space<vmem_shared>>
      tpu.enqueue_dma source(%arg12 : memref<64x128xf32, #tpu.memory_space<vmem>>) target(%dma_start3A_103 : memref<64x128xf32, #tpu.memory_space<vmem_shared>>) target_semaphore(%run_scoped3A : memref<!tpu.dma_semaphore, #tpu.memory_space<semaphore_mem>>)
      %dma_wait3A_104 = arith.constant 0 : i32
      %dma_wait3A_105 = tpu.memref_slice %arg13[%add3A_46, %dma_wait3A_104] : memref<10240x128xf32, #tpu.memory_space<vmem_shared>> -> memref<64x128xf32, #tpu.memory_space<vmem_shared>>
      %dma_wait3A_106 = arith.constant 0 : i32
      %dma_wait3A_107 = tpu.memref_slice %arg13[%add3A_46, %dma_wait3A_106] : memref<10240x128xf32, #tpu.memory_space<vmem_shared>> -> memref<64x128xf32, #tpu.memory_space<vmem_shared>>
      tpu.wait_dma2 semaphore(%run_scoped3A : memref<!tpu.dma_semaphore, #tpu.memory_space<semaphore_mem>>) src(%arg12 : memref<64x128xf32, #tpu.memory_space<vmem>>) dst(%dma_wait3A_107 : memref<64x128xf32, #tpu.memory_space<vmem_shared>>)
      tpu.yield
    }) : () -> ()
    %mul3A_47 = arith.constant 640 : i32
    %mul3A_48 = arith.muli %arg1, %mul3A_47 : i32
    %add3A_49 = arith.constant 448 : i32
    %add3A_50 = arith.addi %mul3A_48, %add3A_49 : i32
    "tpu.region"() ({
      %run_scoped3A = tpu.sem_alloc : memref<!tpu.dma_semaphore, #tpu.memory_space<semaphore_mem>>
      %dma_start3A_100 = arith.constant 0 : i32
      %dma_start3A_101 = tpu.memref_slice %arg13[%add3A_50, %dma_start3A_100] : memref<10240x128xf32, #tpu.memory_space<vmem_shared>> -> memref<64x128xf32, #tpu.memory_space<vmem_shared>>
      %dma_start3A_102 = arith.constant 0 : i32
      %dma_start3A_103 = tpu.memref_slice %arg13[%add3A_50, %dma_start3A_102] : memref<10240x128xf32, #tpu.memory_space<vmem_shared>> -> memref<64x128xf32, #tpu.memory_space<vmem_shared>>
      tpu.enqueue_dma source(%arg12 : memref<64x128xf32, #tpu.memory_space<vmem>>) target(%dma_start3A_103 : memref<64x128xf32, #tpu.memory_space<vmem_shared>>) target_semaphore(%run_scoped3A : memref<!tpu.dma_semaphore, #tpu.memory_space<semaphore_mem>>)
      %dma_wait3A_104 = arith.constant 0 : i32
      %dma_wait3A_105 = tpu.memref_slice %arg13[%add3A_50, %dma_wait3A_104] : memref<10240x128xf32, #tpu.memory_space<vmem_shared>> -> memref<64x128xf32, #tpu.memory_space<vmem_shared>>
      %dma_wait3A_106 = arith.constant 0 : i32
      %dma_wait3A_107 = tpu.memref_slice %arg13[%add3A_50, %dma_wait3A_106] : memref<10240x128xf32, #tpu.memory_space<vmem_shared>> -> memref<64x128xf32, #tpu.memory_space<vmem_shared>>
      tpu.wait_dma2 semaphore(%run_scoped3A : memref<!tpu.dma_semaphore, #tpu.memory_space<semaphore_mem>>) src(%arg12 : memref<64x128xf32, #tpu.memory_space<vmem>>) dst(%dma_wait3A_107 : memref<64x128xf32, #tpu.memory_space<vmem_shared>>)
      tpu.yield
    }) : () -> ()
    %mul3A_51 = arith.constant 640 : i32
    %mul3A_52 = arith.muli %arg1, %mul3A_51 : i32
    %add3A_53 = arith.constant 512 : i32
    %add3A_54 = arith.addi %mul3A_52, %add3A_53 : i32
    "tpu.region"() ({
      %run_scoped3A = tpu.sem_alloc : memref<!tpu.dma_semaphore, #tpu.memory_space<semaphore_mem>>
      %dma_start3A_100 = arith.constant 0 : i32
      %dma_start3A_101 = tpu.memref_slice %arg13[%add3A_54, %dma_start3A_100] : memref<10240x128xf32, #tpu.memory_space<vmem_shared>> -> memref<64x128xf32, #tpu.memory_space<vmem_shared>>
      %dma_start3A_102 = arith.constant 0 : i32
      %dma_start3A_103 = tpu.memref_slice %arg13[%add3A_54, %dma_start3A_102] : memref<10240x128xf32, #tpu.memory_space<vmem_shared>> -> memref<64x128xf32, #tpu.memory_space<vmem_shared>>
      tpu.enqueue_dma source(%arg12 : memref<64x128xf32, #tpu.memory_space<vmem>>) target(%dma_start3A_103 : memref<64x128xf32, #tpu.memory_space<vmem_shared>>) target_semaphore(%run_scoped3A : memref<!tpu.dma_semaphore, #tpu.memory_space<semaphore_mem>>)
      %dma_wait3A_104 = arith.constant 0 : i32
      %dma_wait3A_105 = tpu.memref_slice %arg13[%add3A_54, %dma_wait3A_104] : memref<10240x128xf32, #tpu.memory_space<vmem_shared>> -> memref<64x128xf32, #tpu.memory_space<vmem_shared>>
      %dma_wait3A_106 = arith.constant 0 : i32
      %dma_wait3A_107 = tpu.memref_slice %arg13[%add3A_54, %dma_wait3A_106] : memref<10240x128xf32, #tpu.memory_space<vmem_shared>> -> memref<64x128xf32, #tpu.memory_space<vmem_shared>>
      tpu.wait_dma2 semaphore(%run_scoped3A : memref<!tpu.dma_semaphore, #tpu.memory_space<semaphore_mem>>) src(%arg12 : memref<64x128xf32, #tpu.memory_space<vmem>>) dst(%dma_wait3A_107 : memref<64x128xf32, #tpu.memory_space<vmem_shared>>)
      tpu.yield
    }) : () -> ()
    %mul3A_55 = arith.constant 640 : i32
    %mul3A_56 = arith.muli %arg1, %mul3A_55 : i32
    %add3A_57 = arith.constant 576 : i32
    %add3A_58 = arith.addi %mul3A_56, %add3A_57 : i32
    "tpu.region"() ({
      %run_scoped3A = tpu.sem_alloc : memref<!tpu.dma_semaphore, #tpu.memory_space<semaphore_mem>>
      %dma_start3A_100 = arith.constant 0 : i32
      %dma_start3A_101 = tpu.memref_slice %arg13[%add3A_58, %dma_start3A_100] : memref<10240x128xf32, #tpu.memory_space<vmem_shared>> -> memref<64x128xf32, #tpu.memory_space<vmem_shared>>
      %dma_start3A_102 = arith.constant 0 : i32
      %dma_start3A_103 = tpu.memref_slice %arg13[%add3A_58, %dma_start3A_102] : memref<10240x128xf32, #tpu.memory_space<vmem_shared>> -> memref<64x128xf32, #tpu.memory_space<vmem_shared>>
      tpu.enqueue_dma source(%arg12 : memref<64x128xf32, #tpu.memory_space<vmem>>) target(%dma_start3A_103 : memref<64x128xf32, #tpu.memory_space<vmem_shared>>) target_semaphore(%run_scoped3A : memref<!tpu.dma_semaphore, #tpu.memory_space<semaphore_mem>>)
      %dma_wait3A_104 = arith.constant 0 : i32
      %dma_wait3A_105 = tpu.memref_slice %arg13[%add3A_58, %dma_wait3A_104] : memref<10240x128xf32, #tpu.memory_space<vmem_shared>> -> memref<64x128xf32, #tpu.memory_space<vmem_shared>>
      %dma_wait3A_106 = arith.constant 0 : i32
      %dma_wait3A_107 = tpu.memref_slice %arg13[%add3A_58, %dma_wait3A_106] : memref<10240x128xf32, #tpu.memory_space<vmem_shared>> -> memref<64x128xf32, #tpu.memory_space<vmem_shared>>
      tpu.wait_dma2 semaphore(%run_scoped3A : memref<!tpu.dma_semaphore, #tpu.memory_space<semaphore_mem>>) src(%arg12 : memref<64x128xf32, #tpu.memory_space<vmem>>) dst(%dma_wait3A_107 : memref<64x128xf32, #tpu.memory_space<vmem_shared>>)
      tpu.yield
    }) : () -> ()
    %dma_wait3A = arith.constant 0 : i32
    %dma_wait3A_59 = tpu.memref_slice %arg3[%dma_wait3A] : memref<327936xi32, #tpu.memory_space<hbm>> -> memref<128xi32, #tpu.memory_space<hbm>>
    %dma_wait3A_60 = arith.constant 0 : i32
    %dma_wait3A_61 = tpu.memref_slice %arg3[%dma_wait3A_60] : memref<327936xi32, #tpu.memory_space<hbm>> -> memref<128xi32, #tpu.memory_space<hbm>>
    tpu.wait_dma2 semaphore(%arg14 : memref<!tpu.dma_semaphore, #tpu.memory_space<semaphore_mem>>) src(%dma_wait3A_61 : memref<128xi32, #tpu.memory_space<hbm>>) dst(%arg6 : memref<128xi32, #tpu.memory_space<vmem>>)
    %dma_wait3A_62 = arith.constant 0 : i32
    %dma_wait3A_63 = tpu.memref_slice %arg4[%dma_wait3A_62] : memref<327936xi32, #tpu.memory_space<hbm>> -> memref<128xi32, #tpu.memory_space<hbm>>
    %dma_wait3A_64 = arith.constant 0 : i32
    %dma_wait3A_65 = tpu.memref_slice %arg4[%dma_wait3A_64] : memref<327936xi32, #tpu.memory_space<hbm>> -> memref<128xi32, #tpu.memory_space<hbm>>
    tpu.wait_dma2 semaphore(%arg14 : memref<!tpu.dma_semaphore, #tpu.memory_space<semaphore_mem>>) src(%dma_wait3A_65 : memref<128xi32, #tpu.memory_space<hbm>>) dst(%arg8 : memref<128xi32, #tpu.memory_space<vmem>>)
    %dma_start3A_66 = arith.constant 0 : i32
    %dma_start3A_67 = arith.constant 0 : i32
    %dma_start3A_68 = tpu.memref_slice %arg2[%dma_start3A_66, %dma_start3A_67] : memref<20000x128xf32, #tpu.memory_space<hbm>> -> memref<20000x128xf32, #tpu.memory_space<hbm>>
    tpu.enqueue_indirect_dma source(%dma_start3A_68 : memref<20000x128xf32, #tpu.memory_space<hbm>>) target(%arg10 : memref<128x128xf32, #tpu.memory_space<vmem>>) offsets(%arg6 : memref<128xi32, #tpu.memory_space<vmem>>) semaphore(%arg16 : memref<!tpu.dma_semaphore, #tpu.memory_space<semaphore_mem>>)
    %dma_wait3A_69 = arith.constant 0 : i32
    %dma_wait3A_70 = tpu.memref_slice %arg3[%dma_wait3A_69] : memref<327936xi32, #tpu.memory_space<hbm>> -> memref<128xi32, #tpu.memory_space<hbm>>
    %dma_wait3A_71 = arith.constant 0 : i32
    %dma_wait3A_72 = tpu.memref_slice %arg3[%dma_wait3A_71] : memref<327936xi32, #tpu.memory_space<hbm>> -> memref<128xi32, #tpu.memory_space<hbm>>
    tpu.wait_dma2 semaphore(%arg15 : memref<!tpu.dma_semaphore, #tpu.memory_space<semaphore_mem>>) src(%dma_wait3A_72 : memref<128xi32, #tpu.memory_space<hbm>>) dst(%arg7 : memref<128xi32, #tpu.memory_space<vmem>>)
    %dma_wait3A_73 = arith.constant 0 : i32
    %dma_wait3A_74 = tpu.memref_slice %arg4[%dma_wait3A_73] : memref<327936xi32, #tpu.memory_space<hbm>> -> memref<128xi32, #tpu.memory_space<hbm>>
    %dma_wait3A_75 = arith.constant 0 : i32
    %dma_wait3A_76 = tpu.memref_slice %arg4[%dma_wait3A_75] : memref<327936xi32, #tpu.memory_space<hbm>> -> memref<128xi32, #tpu.memory_space<hbm>>
    tpu.wait_dma2 semaphore(%arg15 : memref<!tpu.dma_semaphore, #tpu.memory_space<semaphore_mem>>) src(%dma_wait3A_76 : memref<128xi32, #tpu.memory_space<hbm>>) dst(%arg9 : memref<128xi32, #tpu.memory_space<vmem>>)
    %dma_start3A_77 = arith.constant 0 : i32
    %dma_start3A_78 = arith.constant 0 : i32
    %dma_start3A_79 = tpu.memref_slice %arg2[%dma_start3A_77, %dma_start3A_78] : memref<20000x128xf32, #tpu.memory_space<hbm>> -> memref<20000x128xf32, #tpu.memory_space<hbm>>
    tpu.enqueue_indirect_dma source(%dma_start3A_79 : memref<20000x128xf32, #tpu.memory_space<hbm>>) target(%arg11 : memref<128x128xf32, #tpu.memory_space<vmem>>) offsets(%arg7 : memref<128xi32, #tpu.memory_space<vmem>>) semaphore(%arg17 : memref<!tpu.dma_semaphore, #tpu.memory_space<semaphore_mem>>)
    %barrier3A = arith.constant 0 : index
    tpu.barrier barrier_id(%barrier3A)
    %scan3A_80 = arith.constant 0 : i32
    %scan3A_81 = arith.constant 0 : i32
    %scan3A_82 = arith.constant 40 : i32
    %scan3A_83 = arith.addi %scan3A_81, %scan3A_82 : i32
    %scan3A_84 = arith.constant 1 : i32
    scf.for %scan3A_100 = %scan3A_81 to %scan3A_83 step %scan3A_84  : i32 {
      %mul3A_101 = arith.constant 2 : i32
      %mul3A_102 = arith.muli %mul3A_101, %scan3A_100 : i32
      %add3A_103 = arith.constant 0 : i32
      %add3A_104 = arith.addi %mul3A_102, %add3A_103 : i32
      %dma_wait3A_105 = arith.constant 0 : i32
      %dma_wait3A_106 = arith.constant 0 : i32
      %dma_wait3A_107 = tpu.memref_slice %arg2[%dma_wait3A_105, %dma_wait3A_106] : memref<20000x128xf32, #tpu.memory_space<hbm>> -> memref<20000x128xf32, #tpu.memory_space<hbm>>
      tpu.wait_indirect_dma semaphore(%arg16 : memref<!tpu.dma_semaphore, #tpu.memory_space<semaphore_mem>>) src(%dma_wait3A_107 : memref<20000x128xf32, #tpu.memory_space<hbm>>) dst(%arg10 : memref<128x128xf32, #tpu.memory_space<vmem>>)
      %dma_start3A_108 = arith.constant 0 : i32
      %dma_start3A_109 = arith.constant 0 : i32
      %dma_start3A_110 = tpu.memref_slice %arg13[%dma_start3A_108, %dma_start3A_109] : memref<10240x128xf32, #tpu.memory_space<vmem_shared>> -> memref<10240x128xf32, #tpu.memory_space<vmem_shared>>
      tpu.enqueue_indirect_dma source(%arg10 : memref<128x128xf32, #tpu.memory_space<vmem>>) target(%dma_start3A_110 : memref<10240x128xf32, #tpu.memory_space<vmem_shared>>) offsets(%arg8 : memref<128xi32, #tpu.memory_space<vmem>>) semaphore(%arg18 : memref<!tpu.dma_semaphore, #tpu.memory_space<semaphore_mem>>) {add = true}
      %add3A_111 = arith.constant 2 : i32
      %add3A_112 = arith.addi %add3A_104, %add3A_111 : i32
      %mul3A_113 = arith.constant 128 : i32
      %mul3A_114 = arith.muli %add3A_112, %mul3A_113 : i32
      %add3A_115 = arith.addi %mul3A_2, %mul3A_114 : i32
      %dma_start3A_116 = tpu.memref_slice %arg3[%add3A_115] : memref<327936xi32, #tpu.memory_space<hbm>> -> memref<128xi32, #tpu.memory_space<hbm>>
      %dma_start3A_117 = tpu.memref_slice %arg3[%add3A_115] : memref<327936xi32, #tpu.memory_space<hbm>> -> memref<128xi32, #tpu.memory_space<hbm>>
      tpu.enqueue_dma source(%dma_start3A_117 : memref<128xi32, #tpu.memory_space<hbm>>) target(%arg6 : memref<128xi32, #tpu.memory_space<vmem>>) target_semaphore(%arg14 : memref<!tpu.dma_semaphore, #tpu.memory_space<semaphore_mem>>)
      %dma_start3A_118 = tpu.memref_slice %arg4[%add3A_115] : memref<327936xi32, #tpu.memory_space<hbm>> -> memref<128xi32, #tpu.memory_space<hbm>>
      %dma_start3A_119 = tpu.memref_slice %arg4[%add3A_115] : memref<327936xi32, #tpu.memory_space<hbm>> -> memref<128xi32, #tpu.memory_space<hbm>>
      tpu.enqueue_dma source(%dma_start3A_119 : memref<128xi32, #tpu.memory_space<hbm>>) target(%arg8 : memref<128xi32, #tpu.memory_space<vmem>>) target_semaphore(%arg14 : memref<!tpu.dma_semaphore, #tpu.memory_space<semaphore_mem>>)
      %dma_wait3A_120 = arith.constant 0 : i32
      %dma_wait3A_121 = arith.constant 0 : i32
      %dma_wait3A_122 = tpu.memref_slice %arg13[%dma_wait3A_120, %dma_wait3A_121] : memref<10240x128xf32, #tpu.memory_space<vmem_shared>> -> memref<10240x128xf32, #tpu.memory_space<vmem_shared>>
      tpu.wait_indirect_dma semaphore(%arg18 : memref<!tpu.dma_semaphore, #tpu.memory_space<semaphore_mem>>) src(%arg10 : memref<128x128xf32, #tpu.memory_space<vmem>>) dst(%dma_wait3A_122 : memref<10240x128xf32, #tpu.memory_space<vmem_shared>>)
      %dma_wait3A_123 = arith.constant 0 : i32
      %dma_wait3A_124 = tpu.memref_slice %arg3[%dma_wait3A_123] : memref<327936xi32, #tpu.memory_space<hbm>> -> memref<128xi32, #tpu.memory_space<hbm>>
      %dma_wait3A_125 = arith.constant 0 : i32
      %dma_wait3A_126 = tpu.memref_slice %arg3[%dma_wait3A_125] : memref<327936xi32, #tpu.memory_space<hbm>> -> memref<128xi32, #tpu.memory_space<hbm>>
      tpu.wait_dma2 semaphore(%arg14 : memref<!tpu.dma_semaphore, #tpu.memory_space<semaphore_mem>>) src(%dma_wait3A_126 : memref<128xi32, #tpu.memory_space<hbm>>) dst(%arg6 : memref<128xi32, #tpu.memory_space<vmem>>)
      %dma_wait3A_127 = arith.constant 0 : i32
      %dma_wait3A_128 = tpu.memref_slice %arg4[%dma_wait3A_127] : memref<327936xi32, #tpu.memory_space<hbm>> -> memref<128xi32, #tpu.memory_space<hbm>>
      %dma_wait3A_129 = arith.constant 0 : i32
      %dma_wait3A_130 = tpu.memref_slice %arg4[%dma_wait3A_129] : memref<327936xi32, #tpu.memory_space<hbm>> -> memref<128xi32, #tpu.memory_space<hbm>>
      tpu.wait_dma2 semaphore(%arg14 : memref<!tpu.dma_semaphore, #tpu.memory_space<semaphore_mem>>) src(%dma_wait3A_130 : memref<128xi32, #tpu.memory_space<hbm>>) dst(%arg8 : memref<128xi32, #tpu.memory_space<vmem>>)
      %dma_start3A_131 = arith.constant 0 : i32
      %dma_start3A_132 = arith.constant 0 : i32
      %dma_start3A_133 = tpu.memref_slice %arg2[%dma_start3A_131, %dma_start3A_132] : memref<20000x128xf32, #tpu.memory_space<hbm>> -> memref<20000x128xf32, #tpu.memory_space<hbm>>
      tpu.enqueue_indirect_dma source(%dma_start3A_133 : memref<20000x128xf32, #tpu.memory_space<hbm>>) target(%arg10 : memref<128x128xf32, #tpu.memory_space<vmem>>) offsets(%arg6 : memref<128xi32, #tpu.memory_space<vmem>>) semaphore(%arg16 : memref<!tpu.dma_semaphore, #tpu.memory_space<semaphore_mem>>)
      %mul3A_134 = arith.constant 2 : i32
      %mul3A_135 = arith.muli %mul3A_134, %scan3A_100 : i32
      %add3A_136 = arith.constant 1 : i32
      %add3A_137 = arith.addi %mul3A_135, %add3A_136 : i32
      %dma_wait3A_138 = arith.constant 0 : i32
      %dma_wait3A_139 = arith.constant 0 : i32
      %dma_wait3A_140 = tpu.memref_slice %arg2[%dma_wait3A_138, %dma_wait3A_139] : memref<20000x128xf32, #tpu.memory_space<hbm>> -> memref<20000x128xf32, #tpu.memory_space<hbm>>
      tpu.wait_indirect_dma semaphore(%arg17 : memref<!tpu.dma_semaphore, #tpu.memory_space<semaphore_mem>>) src(%dma_wait3A_140 : memref<20000x128xf32, #tpu.memory_space<hbm>>) dst(%arg11 : memref<128x128xf32, #tpu.memory_space<vmem>>)
      %dma_start3A_141 = arith.constant 0 : i32
      %dma_start3A_142 = arith.constant 0 : i32
      %dma_start3A_143 = tpu.memref_slice %arg13[%dma_start3A_141, %dma_start3A_142] : memref<10240x128xf32, #tpu.memory_space<vmem_shared>> -> memref<10240x128xf32, #tpu.memory_space<vmem_shared>>
      tpu.enqueue_indirect_dma source(%arg11 : memref<128x128xf32, #tpu.memory_space<vmem>>) target(%dma_start3A_143 : memref<10240x128xf32, #tpu.memory_space<vmem_shared>>) offsets(%arg9 : memref<128xi32, #tpu.memory_space<vmem>>) semaphore(%arg19 : memref<!tpu.dma_semaphore, #tpu.memory_space<semaphore_mem>>) {add = true}
      %add3A_144 = arith.constant 2 : i32
      %add3A_145 = arith.addi %add3A_137, %add3A_144 : i32
      %mul3A_146 = arith.constant 128 : i32
      %mul3A_147 = arith.muli %add3A_145, %mul3A_146 : i32
      %add3A_148 = arith.addi %mul3A_2, %mul3A_147 : i32
      %dma_start3A_149 = tpu.memref_slice %arg3[%add3A_148] : memref<327936xi32, #tpu.memory_space<hbm>> -> memref<128xi32, #tpu.memory_space<hbm>>
      %dma_start3A_150 = tpu.memref_slice %arg3[%add3A_148] : memref<327936xi32, #tpu.memory_space<hbm>> -> memref<128xi32, #tpu.memory_space<hbm>>
      tpu.enqueue_dma source(%dma_start3A_150 : memref<128xi32, #tpu.memory_space<hbm>>) target(%arg7 : memref<128xi32, #tpu.memory_space<vmem>>) target_semaphore(%arg15 : memref<!tpu.dma_semaphore, #tpu.memory_space<semaphore_mem>>)
      %dma_start3A_151 = tpu.memref_slice %arg4[%add3A_148] : memref<327936xi32, #tpu.memory_space<hbm>> -> memref<128xi32, #tpu.memory_space<hbm>>
      %dma_start3A_152 = tpu.memref_slice %arg4[%add3A_148] : memref<327936xi32, #tpu.memory_space<hbm>> -> memref<128xi32, #tpu.memory_space<hbm>>
      tpu.enqueue_dma source(%dma_start3A_152 : memref<128xi32, #tpu.memory_space<hbm>>) target(%arg9 : memref<128xi32, #tpu.memory_space<vmem>>) target_semaphore(%arg15 : memref<!tpu.dma_semaphore, #tpu.memory_space<semaphore_mem>>)
      %dma_wait3A_153 = arith.constant 0 : i32
      %dma_wait3A_154 = arith.constant 0 : i32
      %dma_wait3A_155 = tpu.memref_slice %arg13[%dma_wait3A_153, %dma_wait3A_154] : memref<10240x128xf32, #tpu.memory_space<vmem_shared>> -> memref<10240x128xf32, #tpu.memory_space<vmem_shared>>
      tpu.wait_indirect_dma semaphore(%arg19 : memref<!tpu.dma_semaphore, #tpu.memory_space<semaphore_mem>>) src(%arg11 : memref<128x128xf32, #tpu.memory_space<vmem>>) dst(%dma_wait3A_155 : memref<10240x128xf32, #tpu.memory_space<vmem_shared>>)
      %dma_wait3A_156 = arith.constant 0 : i32
      %dma_wait3A_157 = tpu.memref_slice %arg3[%dma_wait3A_156] : memref<327936xi32, #tpu.memory_space<hbm>> -> memref<128xi32, #tpu.memory_space<hbm>>
      %dma_wait3A_158 = arith.constant 0 : i32
      %dma_wait3A_159 = tpu.memref_slice %arg3[%dma_wait3A_158] : memref<327936xi32, #tpu.memory_space<hbm>> -> memref<128xi32, #tpu.memory_space<hbm>>
      tpu.wait_dma2 semaphore(%arg15 : memref<!tpu.dma_semaphore, #tpu.memory_space<semaphore_mem>>) src(%dma_wait3A_159 : memref<128xi32, #tpu.memory_space<hbm>>) dst(%arg7 : memref<128xi32, #tpu.memory_space<vmem>>)
      %dma_wait3A_160 = arith.constant 0 : i32
      %dma_wait3A_161 = tpu.memref_slice %arg4[%dma_wait3A_160] : memref<327936xi32, #tpu.memory_space<hbm>> -> memref<128xi32, #tpu.memory_space<hbm>>
      %dma_wait3A_162 = arith.constant 0 : i32
      %dma_wait3A_163 = tpu.memref_slice %arg4[%dma_wait3A_162] : memref<327936xi32, #tpu.memory_space<hbm>> -> memref<128xi32, #tpu.memory_space<hbm>>
      tpu.wait_dma2 semaphore(%arg15 : memref<!tpu.dma_semaphore, #tpu.memory_space<semaphore_mem>>) src(%dma_wait3A_163 : memref<128xi32, #tpu.memory_space<hbm>>) dst(%arg9 : memref<128xi32, #tpu.memory_space<vmem>>)
      %dma_start3A_164 = arith.constant 0 : i32
      %dma_start3A_165 = arith.constant 0 : i32
      %dma_start3A_166 = tpu.memref_slice %arg2[%dma_start3A_164, %dma_start3A_165] : memref<20000x128xf32, #tpu.memory_space<hbm>> -> memref<20000x128xf32, #tpu.memory_space<hbm>>
      tpu.enqueue_indirect_dma source(%dma_start3A_166 : memref<20000x128xf32, #tpu.memory_space<hbm>>) target(%arg11 : memref<128x128xf32, #tpu.memory_space<vmem>>) offsets(%arg7 : memref<128xi32, #tpu.memory_space<vmem>>) semaphore(%arg17 : memref<!tpu.dma_semaphore, #tpu.memory_space<semaphore_mem>>)
    }
    %scan3A_85 = arith.constant 40 : i32
    %dma_wait3A_86 = arith.constant 0 : i32
    %dma_wait3A_87 = arith.constant 0 : i32
    %dma_wait3A_88 = tpu.memref_slice %arg2[%dma_wait3A_86, %dma_wait3A_87] : memref<20000x128xf32, #tpu.memory_space<hbm>> -> memref<20000x128xf32, #tpu.memory_space<hbm>>
    tpu.wait_indirect_dma semaphore(%arg16 : memref<!tpu.dma_semaphore, #tpu.memory_space<semaphore_mem>>) src(%dma_wait3A_88 : memref<20000x128xf32, #tpu.memory_space<hbm>>) dst(%arg10 : memref<128x128xf32, #tpu.memory_space<vmem>>)
    %dma_wait3A_89 = arith.constant 0 : i32
    %dma_wait3A_90 = arith.constant 0 : i32
    %dma_wait3A_91 = tpu.memref_slice %arg2[%dma_wait3A_89, %dma_wait3A_90] : memref<20000x128xf32, #tpu.memory_space<hbm>> -> memref<20000x128xf32, #tpu.memory_space<hbm>>
    tpu.wait_indirect_dma semaphore(%arg17 : memref<!tpu.dma_semaphore, #tpu.memory_space<semaphore_mem>>) src(%dma_wait3A_91 : memref<20000x128xf32, #tpu.memory_space<hbm>>) dst(%arg11 : memref<128x128xf32, #tpu.memory_space<vmem>>)
    %barrier3A_92 = arith.constant 0 : index
    tpu.barrier barrier_id(%barrier3A_92)
    %mul3A_93 = arith.constant 640 : i32
    %mul3A_94 = arith.muli %arg1, %mul3A_93 : i32
    %mul3A_95 = arith.constant 10240 : i32
    %mul3A_96 = arith.muli %arg0, %mul3A_95 : i32
    %mul3A_97 = arith.constant 640 : i32
    %mul3A_98 = arith.muli %arg1, %mul3A_97 : i32
    %add3A_99 = arith.addi %mul3A_96, %mul3A_98 : i32
    "tpu.region"() ({
      %run_scoped3A = tpu.sem_alloc : memref<!tpu.dma_semaphore, #tpu.memory_space<semaphore_mem>>
      %dma_start3A_100 = arith.constant 0 : i32
      %dma_start3A_101 = tpu.memref_slice %arg5[%add3A_99, %dma_start3A_100] : memref<20480x128xf32, #tpu.memory_space<hbm>> -> memref<640x128xf32, #tpu.memory_space<hbm>>
      %dma_start3A_102 = arith.constant 0 : i32
      %dma_start3A_103 = tpu.memref_slice %arg13[%mul3A_94, %dma_start3A_102] : memref<10240x128xf32, #tpu.memory_space<vmem_shared>> -> memref<640x128xf32, #tpu.memory_space<vmem_shared>>
      tpu.enqueue_dma source(%dma_start3A_103 : memref<640x128xf32, #tpu.memory_space<vmem_shared>>) target(%dma_start3A_101 : memref<640x128xf32, #tpu.memory_space<hbm>>) target_semaphore(%run_scoped3A : memref<!tpu.dma_semaphore, #tpu.memory_space<semaphore_mem>>)
      %dma_wait3A_104 = arith.constant 0 : i32
      %dma_wait3A_105 = tpu.memref_slice %arg5[%add3A_99, %dma_wait3A_104] : memref<20480x128xf32, #tpu.memory_space<hbm>> -> memref<640x128xf32, #tpu.memory_space<hbm>>
      %dma_wait3A_106 = arith.constant 0 : i32
      %dma_wait3A_107 = tpu.memref_slice %arg13[%mul3A_94, %dma_wait3A_106] : memref<10240x128xf32, #tpu.memory_space<vmem_shared>> -> memref<640x128xf32, #tpu.memory_space<vmem_shared>>
      tpu.wait_dma2 semaphore(%run_scoped3A : memref<!tpu.dma_semaphore, #tpu.memory_space<semaphore_mem>>) src(%dma_wait3A_107 : memref<640x128xf32, #tpu.memory_space<vmem_shared>>) dst(%dma_wait3A_105 : memref<640x128xf32, #tpu.memory_space<hbm>>)
      tpu.yield
    }) : () -> ()
    return
  }
}

module attributes {stable_mosaic.version = 14 : i64} {
  func.func @body(%arg0: i32, %arg1: i32, %arg2: memref<2000x128xf32, #tpu.memory_space<vmem>>, %arg3: memref<1x128x128xf32, #tpu.memory_space<vmem>>, %arg4: memref<2000x128xf32, #tpu.memory_space<vmem>>) attributes {dimension_semantics = [#tpu.dimension_semantics<arbitrary>, #tpu.dimension_semantics<arbitrary>], iteration_bounds = array<i64: 2, 5>, scalar_prefetch = 0 : i64, scratch_operands = 0 : i64, tpu.core_type = #tpu.core_type<tc>, window_params = [{transform_indices = @transform_0, window_bounds = array<i64: 2000, 128>}, {transform_indices = @transform_1, window_bounds = array<i64: 1, 128, 128>}, {transform_indices = @transform_2, window_bounds = array<i64: 2000, 128>}]} {
    %get3A = arith.constant 0 : index
    %get3A_0 = arith.constant 0 : index
    %get3A_1 = vector.load %arg2[%get3A, %get3A_0] : memref<2000x128xf32, #tpu.memory_space<vmem>>, vector<2000x128xf32>
    %get3A_2 = arith.constant 0 : index
    %get3A_3 = arith.constant 0 : index
    %get3A_4 = arith.constant 0 : index
    %get3A_5 = vector.load %arg3[%get3A_2, %get3A_3, %get3A_4] : memref<1x128x128xf32, #tpu.memory_space<vmem>>, vector<1x128x128xf32>
    %get3A_6 = vector.shape_cast %get3A_5 : vector<1x128x128xf32> to vector<128x128xf32>
    %dot_general3A = arith.constant dense<0.000000e+00> : vector<2000x128xf32>
    %dot_general3A_7 = tpu.matmul %get3A_1, %get3A_6, %dot_general3A {dimension_numbers = #tpu.dot_dimension_numbers<[1], [0], [0], [1], [0, 0, 1, 1], [], []>, transpose_lhs_hint = false} : vector<2000x128xf32>, vector<128x128xf32>, vector<2000x128xf32> -> vector<2000x128xf32>
    %swap3A = arith.constant 0 : index
    %swap3A_8 = arith.constant 0 : index
    %swap3A_9 = vector.load %arg4[%swap3A, %swap3A_8] : memref<2000x128xf32, #tpu.memory_space<vmem>>, vector<2000x128xf32>
    tpu.vector_store %arg4[%swap3A, %swap3A_8], %dot_general3A_7 {strides = array<i32>} : memref<2000x128xf32, #tpu.memory_space<vmem>>, vector<2000x128xf32>,
    return
  }
  func.func @transform_0(%arg0: i32, %arg1: i32) -> (i32, i32) {
    %c0_i32 = arith.constant 0 : i32
    %c0_i32_0 = arith.constant 0 : i32
    return %arg1, %c0_i32 : i32, i32
  }
  func.func @transform_1(%arg0: i32, %arg1: i32) -> (i32, i32, i32) {
    %c0_i32 = arith.constant 0 : i32
    %c0_i32_0 = arith.constant 0 : i32
    %c0_i32_1 = arith.constant 0 : i32
    return %arg0, %c0_i32, %c0_i32_0 : i32, i32, i32
  }
  func.func @transform_2(%arg0: i32, %arg1: i32) -> (i32, i32) {
    %mul3A = arith.constant 5 : i32
    %mul3A_0 = arith.muli %arg0, %mul3A : i32
    %add3A = arith.addi %mul3A_0, %arg1 : i32
    %c0_i32 = arith.constant 0 : i32
    %c0_i32_1 = arith.constant 0 : i32
    return %add3A, %c0_i32 : i32, i32
  }
}

module attributes {stable_mosaic.version = 14 : i64} {
  func.func @body(%arg0: i32, %arg1: memref<2x2000x128xf32, #tpu.memory_space<vmem>>, %arg2: memref<2000x128xf32, #tpu.memory_space<vmem>>) attributes {dimension_semantics = [#tpu.dimension_semantics<arbitrary>], iteration_bounds = array<i64: 5>, scalar_prefetch = 0 : i64, scratch_operands = 0 : i64, tpu.core_type = #tpu.core_type<tc>, window_params = [{transform_indices = @transform_0, window_bounds = array<i64: 2, 2000, 128>}, {transform_indices = @transform_1, window_bounds = array<i64: 2000, 128>}]} {
    %get3A = arith.constant 0 : index
    %get3A_0 = arith.constant 0 : index
    %get3A_1 = arith.constant 0 : index
    %get3A_2 = vector.load %arg1[%get3A, %get3A_0, %get3A_1] : memref<2x2000x128xf32, #tpu.memory_space<vmem>>, vector<1x2000x128xf32>
    %get3A_3 = vector.shape_cast %get3A_2 : vector<1x2000x128xf32> to vector<2000x128xf32>
    %get3A_4 = arith.constant 1 : index
    %get3A_5 = arith.constant 0 : index
    %get3A_6 = arith.constant 0 : index
    %get3A_7 = vector.load %arg1[%get3A_4, %get3A_5, %get3A_6] : memref<2x2000x128xf32, #tpu.memory_space<vmem>>, vector<1x2000x128xf32>
    %get3A_8 = vector.shape_cast %get3A_7 : vector<1x2000x128xf32> to vector<2000x128xf32>
    %add3A = arith.addf %get3A_3, %get3A_8 : vector<2000x128xf32>
    %max3A = arith.constant 0.000000e+00 : f32
    %max3A_9 = vector.broadcast %max3A : f32 to vector<2000x128xf32>
    %max3A_10 = arith.maximumf %add3A, %max3A_9 : vector<2000x128xf32>
    %swap3A = arith.constant 0 : index
    %swap3A_11 = arith.constant 0 : index
    %swap3A_12 = vector.load %arg2[%swap3A, %swap3A_11] : memref<2000x128xf32, #tpu.memory_space<vmem>>, vector<2000x128xf32>
    tpu.vector_store %arg2[%swap3A, %swap3A_11], %max3A_10 {strides = array<i32>} : memref<2000x128xf32, #tpu.memory_space<vmem>>, vector<2000x128xf32>,
    return
  }
  func.func @transform_0(%arg0: i32) -> (i32, i32, i32) {
    %c0_i32 = arith.constant 0 : i32
    %c0_i32_0 = arith.constant 0 : i32
    %c0_i32_1 = arith.constant 0 : i32
    return %c0_i32, %arg0, %c0_i32_0 : i32, i32, i32
  }
  func.func @transform_1(%arg0: i32) -> (i32, i32) {
    %c0_i32 = arith.constant 0 : i32
    %c0_i32_0 = arith.constant 0 : i32
    return %arg0, %c0_i32 : i32, i32
  }
}

</mosaic_0001>

<sc_bundles>
// kernel: kernel.5.cloned.1.call-start
scs
__scs_entry_jumppad:
0x0: {  	(pc) =	sbr.rel $0x88, $3  }
0x1: {  	(tag) =	ssettag $0x0;
	lr =	simm.s32 $0x1  }
0x2: {  	[smem:$0x3F9C] =	sst lr;
	_ =	strace $0xD0000000  }
0x3: {  	_ = 	snop  }
0x4: {  	_ = 	snop  }
0x5: {  	_ = 	snop  }
0x6: {  	_ = 	snop  }
0x7: {  	_ = 	snop  }
__scs_overlays_trampoline_lowered:
0x8: {  	[smem:$0x3FAB] =	sst s0  }
0x9: {  	[smem:$0x3FAC] =	sst s1  }
0xa: {  	[smem:$0x3FAD] =	sst s2  }
0xb: {  	[smem:$0x3FAE] =	sst s3  }
0xc: {  	[smem:$0x3FAF] =	sst s4  }
0xd: {  	[smem:$0x3FB0] =	sst s5  }
0xe: {  	[smem:$0x3FB1] =	sst s6  }
0xf: {  	[smem:$0x3FB2] =	sst s7  }
0x10: {  	[smem:$0x3FB3] =	sst s8  }
0x11: {  	[smem:$0x3FB4] =	sst s9;
	s0 =	simm.s32 @!p0 $0x0  }
0x12: {  	s1 =	sld [smem:$0x3F9A];
	s0 =	simm.s32 @p0 $0x1  }
0x13: {  	[smem:$0x3FB5] =	sst s0;
	s0 =	simm.s32 @!p1 $0x0  }
0x14: {  	s2 =	sld [smem:$0x3F99];
	s0 =	simm.s32 @p1 $0x1  }
0x15: {  	[smem:$0x3FB6] =	sst s0;
	s0 =	simm.s32 @!p2 $0x0  }
0x16: {  	s3 =	sld [smem:$0x3FDB];
	s0 =	simm.s32 @p2 $0x1  }
0x17: {  	s4 =	simm.s32 $0x1BF5;
	[smem:$0x3FB8] =	sst s0  }
0x18: {  	s0 =	sld [smem:$0x3F9B];
	_ =	swait.ge [sflag:s4], $0x0  }
0x19: {  	s7 =	sld [smem:$0x3F9C]  }
0x1a: {  	s8 =	sadd.s32 $0xFFFFE003, lr  }
0x1b: {  	s9 =	sadd.s32 $0xFFFFFEF7, lr;
	s5 =	simm.s32 $0xFFFFFFFF;
	p2 =	slt.u32 s8, $0xFFFFF086  }
0x1c: {  	p1 =	slt.u32 s9, $0xF7A;
	s5 =	simm.s32 @!p2 $0x0  }
0x1d: {  	s5 =	simm.s32 @p1 $0x1;
	p0 =	seq.s32 s7, s2  }
0x1e: {  	s7 =	smul.u32 @!p0 $0xF7A, s2;
	p2 =	seq.s32 @!p0 s5, $0x0  }
0x1f: {  	s9 =	smul.u32 $0xF7A, s1;
	s8 =	simm.s32 @!p0 $0x1BF5;
	p2 =	por !p2, p0  }
0x20: {  	[sflag:s8] =	ssyncset.s32 @!p0 $0xFFFFF086;
	s6 =	sadd.s32 @!p0 s3, s7;
	s7 =	simm.s32 @!p0 $0x108  }
0x21: {  	s3 =	sadd.s32 s3, s9;
	s6 =	sadd.s32 @!p0 $0x88, s6;
	s7 =	simm.s32 @p2 $0x1082  }
0x22: {  	[simem:s7], [sflag:s8] =	dma.local @!p0 [hbm:s6], $0xF7A  }
0x23: {  	s9 =	sor.u32 $0xD0000000, s2;
	s6 =	simm.s32 $0x108;
	_ =	swait.ge @!p0 [sflag:s8], $0x0  }
0x24: {  	s3 =	sadd.s32 $0x88, s3;
	s6 =	simm.s32 @!p1 $0x1082;
	[sflag:s4] =	ssyncset.s32 $0xFFFFF086  }
0x25: {  	[simem:s6], [sflag:s4] =	dma.local [hbm:s3], $0xF7A  }
0x26: {  	[smem:$0x3F9C] =	sst s1;
	(tag) =	ssettag s2;
	_ =	strace s9  }
0x27: {  	s1 =	sld [smem:$0x3FAC]  }
0x28: {  	s2 =	sld [smem:$0x3FAD]  }
0x29: {  	s4 =	sld [smem:$0x3FAF]  }
0x2a: {  	p0 =	seq.s32 s5, $0x0;
	s5 =	sld [smem:$0x3FB0]  }
0x2b: {  	s6 =	sld [smem:$0x3FB1]  }
0x2c: {  	s7 =	sld [smem:$0x3FB2]  }
0x2d: {  	s3 =	simm.s32 $0x108;
	s8 =	sld [smem:$0x3FB3]  }
0x2e: {  	s3 =	simm.s32 @!p0 $0x1082;
	s9 =	sld [smem:$0x3FB4]  }
0x2f: {  	lr =	sadd.s32 s0, s3;
	s0 =	sld [smem:$0x3FAB]  }
0x30: {  	s3 =	sld [smem:$0x3FAE]  }
0x31: {  	[smem:$0x3FB7] =	sst s10  }
0x32: {  	s10 =	sld [smem:$0x3FB5];
	_ =	sdelay $0x3  }
0x33: {  	p0 =	seq.s32 s10, $0x1;
	s10 =	sld [smem:$0x3FB7];
	_ =	sdelay $0x3  }
0x34: {  	[smem:$0x3FB7] =	sst s10  }
0x35: {  	s10 =	sld [smem:$0x3FB6];
	_ =	sdelay $0x3  }
0x36: {  	p1 =	seq.s32 s10, $0x1;
	s10 =	sld [smem:$0x3FB7];
	_ =	sdelay $0x3  }
0x37: {  	[smem:$0x3FB7] =	sst s10  }
0x38: {  	s10 =	sld [smem:$0x3FB8]  }
0x39: {  	_ = 	snop;
	(pc) =	sbr.ind lr, $3  }
0x3a: {  	_ = 	snop  }
0x3b: {  	_ = 	snop  }
0x3c: {  	p2 =	seq.s32 s10, $0x1;
	s10 =	sld [smem:$0x3FB7]  }
0x3d: {  	_ =	shalt  }
0x3e: {  	_ =	shalt  }
0x3f: {  	_ =	shalt  }
0x40: {  	_ =	shalt  }
0x41: {  	_ =	shalt  }
0x42: {  	_ =	shalt  }
0x43: {  	_ =	shalt  }
0x44: {  	_ =	shalt  }
0x45: {  	_ =	shalt  }
0x46: {  	_ =	shalt  }
0x47: {  	_ =	shalt  }
0x48: {  	_ =	shalt  }
0x49: {  	_ =	shalt  }
0x4a: {  	_ =	shalt  }
0x4b: {  	_ =	shalt  }
0x4c: {  	_ =	shalt  }
0x4d: {  	_ =	shalt  }
0x4e: {  	_ =	shalt  }
0x4f: {  	_ =	shalt  }
0x50: {  	_ =	shalt  }
0x51: {  	_ =	shalt  }
0x52: {  	_ =	shalt  }
0x53: {  	_ =	shalt  }
0x54: {  	_ =	shalt  }
0x55: {  	_ =	shalt  }
0x56: {  	_ =	shalt  }
0x57: {  	_ =	shalt  }
0x58: {  	_ =	shalt  }
0x59: {  	_ =	shalt  }
0x5a: {  	_ =	shalt  }
0x5b: {  	_ =	shalt  }
0x5c: {  	_ =	shalt  }
0x5d: {  	_ =	shalt  }
0x5e: {  	_ =	shalt  }
0x5f: {  	_ =	shalt  }
0x60: {  	_ =	shalt  }
0x61: {  	_ =	shalt  }
0x62: {  	_ =	shalt  }
0x63: {  	_ =	shalt  }
0x64: {  	_ =	shalt  }
0x65: {  	_ =	shalt  }
0x66: {  	_ =	shalt  }
0x67: {  	_ =	shalt  }
0x68: {  	_ =	shalt  }
0x69: {  	_ =	shalt  }
0x6a: {  	_ =	shalt  }
0x6b: {  	_ =	shalt  }
0x6c: {  	_ =	shalt  }
0x6d: {  	_ =	shalt  }
0x6e: {  	_ =	shalt  }
0x6f: {  	_ =	shalt  }
0x70: {  	_ =	shalt  }
0x71: {  	_ =	shalt  }
0x72: {  	_ =	shalt  }
0x73: {  	_ =	shalt  }
0x74: {  	_ =	shalt  }
0x75: {  	_ =	shalt  }
0x76: {  	_ =	shalt  }
0x77: {  	_ =	shalt  }
0x78: {  	_ =	shalt  }
0x79: {  	_ =	shalt  }
0x7a: {  	_ =	shalt  }
0x7b: {  	_ =	shalt  }
0x7c: {  	_ =	shalt  }
0x7d: {  	_ =	shalt  }
0x7e: {  	_ =	shalt  }
0x7f: {  	_ =	shalt  }
0x80: {  	_ =	shalt  }
0x81: {  	_ =	shalt  }
0x82: {  	_ =	shalt  }
0x83: {  	_ =	shalt  }
0x84: {  	_ =	shalt  }
0x85: {  	_ =	shalt  }
0x86: {  	_ =	shalt  }
0x87: {  	_ =	shalt  }
.Lfunc_end0:
.L_simem_size_0:
called_computation_lowered:
.L_overlay_start_0:
0x88: {  	s2 =	sld [smem:$0x3FD9]  }
0x89: {  	s3 =	sld [smem:$0x3FFE];
	_ =	sdelay $0x1  }
0x8a: {  	s1 =	srdreg.scid  }
0x8b: {  	s0 =	sand.u32 $0x1, s1  }
0x8c: {  	s17 =	sshll.u32 s0, $0xA;
	s2 =	sadd.s32 s3, s2  }
0x8d: {  	s2 =	sadd.s32 s2, s17  }
0x8e: {  	[smem:$0x3FC3] =	sst s2  }
0x8f: {  	_ = 	snop  }
0x90: {  	s2 =	sld [smem:$0x3FD0];
	(tm) =	ssettm $0x1  }
0x91: {  	s18 =	sld [smem:$0x3FFB];
	_ =	sdelay $0x3  }
0x92: {  	_ =	strace s18  }
0x93: {  	s3 =	sld [smem:$0x3FFC];
	_ =	sdelay $0x3  }
0x94: {  	_ =	strace s3  }
0x95: {  	s3 =	sld [smem:$0x3FFD];
	_ =	sdelay $0x3  }
0x96: {  	_ =	strace s3  }
0x97: {  	_ =	strace $0x8FFFFFFF  }
0x98: {  	s19 =	sld [smem:$0x3FDB];
	_ =	sdelay $0x1  }
0x99: {  	s4 =	simm.s32 $_scs_section_size  }
0x9a: {  	s5 =	simm.s32 $_size__tile_overlayer_lowered;
	s6 =	simm.s32 $_tile_overlayer_lowered  }
0x9b: {  	s22 =	simm.s32 $0x1BFF;
	s21 =	sshll.u32 s6, $0x1;
	s3 =	sadd.s32 s4, s19  }
0x9c: {  	s7 =	simm.s32 $0x0;
	s20 =	sshll.u32 s5, $0x1;
	s5 =	sadd.s32 s21, s3  }
0x9d: {  	[timem:s7], [sflag:s22] =	dma.local [hbm:s5], s20  }
0x9e: {  	_ =	swait.ge [sflag:s22], s20  }
0x9f: {  	s4 =	ssub.s32 $0x0, s20;
	[sflag:s22] =	ssyncset.done $0x0  }
0xa0: {  	[sflag:s22] =	ssyncadd.s32 s4;
	_ =	sdelay $0x1  }
0xa1: {  	s23 =	simm.s32 $0x1B8B  }
0xa2: {  	_ =	swait.ge [sflag:s23], $0x1  }
0xa3: {  	[sflag:s23] =	ssyncset.done $0x0  }
0xa4: {  	s25 =	simm.s32 $0x1B8E;
	s24 =	sld [smem:$0x3FFE];
	[sflag:s23] =	ssyncadd.s32 $0xFFFFFFFF  }
0xa5: {  	s26 =	simm.s32 $execute0_lowered;
	[smem:$0x3FD2] =	sst s25  }
0xa6: {  	s5 =	sshll.u32 s26, $0x1;
	_ =	strace $0x80000046;
	[dreg:$0x1] =	wrdreg $0xFFFFFFFF  }
0xa7: {  	s28 =	simm.s32 $_size_execute0_lowered;
	s3 =	sadd.s32 s3, s5;
	[dreg:$0x0] =	wrdreg $0x0  }
0xa8: {  	s5 =	sshll.u32 s28, $0x1;
	[dreg:$0x2] =	wrdreg s3  }
0xa9: {  	[dreg:$0x3] =	wrdreg s5  }
0xaa: {  	[dreg:$0x4] =	wrdreg $0xC0  }
0xab: {  	_ =	task [dreg:s7], $0x5FFFF  }
0xac: {  	[dreg:$0x1] =	wrdreg $0xFFFFFFFF  }
0xad: {  	[dreg:$0x0] =	wrdreg $0x60  }
0xae: {  	[dreg:$0x2] =	wrdreg s24  }
0xaf: {  	[dreg:$0x3] =	wrdreg s2  }
0xb0: {  	[dreg:$0x4] =	wrdreg $0xA2000  }
0xb1: {  	[dreg:$0x5] =	wrdreg $0x9  }
0xb2: {  	_ =	task.clear_ibuf [dreg:s7], $0x6FFFF;
	_ =	strace $0x90000046  }
0xb3: {  	s29 =	simm.s32 $0x9;
	_ =	strace $0x80000048  }
0xb4: {  	_ =	swait.ge [sflag:s29], $0x1  }
0xb5: {  	[sflag:s29] =	ssyncadd.s32 $0xFFFFFFFF  }
0xb6: {  	_ =	strace $0x90000048  }
0xb7: {  	_ =	sfence  }
0xb8: {  	s30 =	sld [smem:$0x0];
	_ =	sdelay $0x2  }
0xb9: {  	s31 =	sshll.u32 s1, $0xD;
	s1 =	sshrl.u32 s1, $0x2  }
0xba: {  	s3 =	sand.u32 $0x4000, s31;
	s1 =	sadd.s32 s1, s30  }
0xbb: {  	s0 =	sor.u32 s3, s0;
	s1 =	sshll.u32 s1, $0x11  }
0xbc: {  	s0 =	sor.u32 s1, s0  }
0xbd: {  	s0 =	sadd.s32 $0x8F2B, s0  }
0xbe: {  	[sflag:s0] =	ssyncadd.remote.s32 $0x1  }
0xbf: {  	_ =	sfence.sel $0xFFFF  }
0xc0: {  	[dreg:$0x0] =	wrdreg $0xFFFFFFFF;
	(pc) =	sbr.abs _section_cstart, $3  }
0xc1: {  	[dreg:$0x1] =	wrdreg $0xFFFFFFFF  }
0xc2: {  	_ =	task.clear_ibuf [dreg:s7], $0x2FFFF;
	_ =	strace $0x9FFFFFFF  }
0xc3: {  	(tm) =	ssettm $0x7FFFFFFF  }
tec
execute0_lowered:
.L_overlay_start_1:
0x0: {  	(tag) =	ssettag $0x1  }
0x1: {  	s0 =	rddreg [dreg:$0x0]  }
0x2: {  	s1 =	rddreg [dreg:$0x1]  }
0x3: {  	s2 =	rddreg [dreg:$0x2]  }
0x4: {  	s3 =	simm.s32 $0x0;
	s4 =	srdreg.scid;
	s12 =	stileid.u32  }
0x5: {  	s28 =	simm.s32 $0x180;
	s29 =	simm.s32 $0x8200;
	s30 =	simm.s32 $0x7  }
0x6: {  	s31 =	simm.s32 $0x1;
	s5 =	sand.u32 $0x1, s4;
	s6 =	smul.u32 $0x2800, s12  }
0x7: {  	s11 =	sshll.u32 s12, $0x1;
	[smem:$0x7FF] =	sst s3;
	s23 =	smul.u32 $0x5000, s12  }
0x8: {  	s4 =	sadd.s32 $0xA600, s0;
	s10 =	sadd.s32 $0x400, s0;
	s7 =	smul.u32 $0x28000, s5  }
0x9: {  	s8 =	sor.u32 s5, s11;
	s13 =	ssub.s32 $0x2, s5;
	s11 =	smul.u32 $0x50000, s12  }
0xa: {  	_ =	strace $0x80000047;
	s5 =	smul.u32 $0x2800, s5;
	s9 =	sshrl.u32 s13, $0x1  }
0xb: {  	s8 =	smul.u32 $0x2800, s8;
	s6 =	sadd.s32 s6, s7;
	s14 =	ssub.s32 s13, s9  }
0xc: {  	s19 =	sshrl.u32 s11, $0x2;
	s5 =	sadd.s32 s5, s23;
	s11 =	simm.s32 $0x0  }
0xd: {  	s8 =	sshrl.u32 s8, $0x3;
	s0 =	sadd.s32 s6, s0;
	s9 =	sadd.s32 s19, s2  }
0xe: {  	s26 =	sor.u32 $0x180, s5;
	s5 =	sor.u32 $0x100, s5;
	s6 =	simm.s32 $0x3  }
0xf: {  	s16 =	sadd.s32 s1, s8;
	s17 =	sadd.s32 s10, s8;
	s18 =	sor.u32 $0x10, s8  }
0x10: {  	s21 =	sadd.s32 $0x2000, s9;
	s22 =	sadd.s32 $0x4000, s9;
	[dreg:$0x4] =	wrdreg s16  }
0x11: {  	s8 =	sadd.s32 $0x6000, s9;
	s24 =	sadd.s32 $0x8000, s9;
	[dreg:$0x5] =	wrdreg s17  }
0x12: {  	s25 =	sadd.s32 $0xA000, s9;
	s15 =	sadd.s32 $0xC000, s9;
	[dreg:$0x8] =	wrdreg s21  }
0x13: {  	s19 =	sadd.s32 $0x58800, s0;
	s0 =	sshrl.u32 s26, $0x3;
	[dreg:$0x9] =	wrdreg s22  }
0x14: {  	s5 =	sshrl.u32 s5, $0x3;
	s26 =	simm.s32 $0x80;
	[dreg:$0xa] =	wrdreg s8  }
0x15: {  	s20 =	sadd.s32 s1, s18;
	s7 =	sadd.s32 s10, s18;
	[dreg:$0xb] =	wrdreg s24  }
0x16: {  	[dreg:$0xc] =	wrdreg s25;
	s16 =	sadd.s32 $0xE000, s9;
	s17 =	sadd.s32 $0x10000, s9  }
0x17: {  	s18 =	sadd.s32 $0x12000, s9;
	s21 =	sadd.s32 s0, s10;
	s22 =	sadd.s32 s0, s1  }
0x18: {  	s23 =	sadd.s32 s5, s10;
	s24 =	sadd.s32 s5, s1;
	s25 =	simm.s32 $0x100  }
0x19: {  	s0 =	simm.s32 $0x200;
	s1 =	simm.s32 $0x2;
	s5 =	simm.s32 $0x4200  }
0x1a: {  	s8 =	simm.s32 $0x4;
	s10 =	simm.s32 $0x6;
	[dreg:$0x6] =	wrdreg s20  }
0x1b: {  	v0 =	vimm.f32 $0.0e+00;
	[dreg:$0x7] =	wrdreg s7;
	s20 =	smax.u32 s14, $0x1;
	s7 =	simm.s32 $0x5  }
.LBB2_1:
0x1c: {  	s12 =	rddreg [dreg:$0x4]  }
0x1d: {  	[tilespmem:s3], [sflag:$0x1] =	stream.linear.gather [hbm4b:s12+s3], $0x80, $0x38;
	[tilespmem:$0x1E200] =	vst v63  }
0x1e: {  	s14 =	rddreg [dreg:$0x5]  }
0x1f: {  	[tilespmem:s25], [sflag:$0x1] =	stream.linear.gather [hbm4b:s14+s3], $0x80, $0x38;
	[tilespmem:$0x1E200] =	vst v63  }
0x20: {  	s13 =	rddreg [dreg:$0x6]  }
0x21: {  	[tilespmem:s26], [sflag:$0x2] =	stream.linear.gather [hbm4b:s13+s3], $0x80, $0x38;
	[tilespmem:$0x1E200] =	vst v63  }
0x22: {  	s12 =	simm.s32 $0x0;
	s14 =	rddreg [dreg:$0x7];
	s13 =	simm.s32 $0x200  }
0x23: {  	[tilespmem:s28], [sflag:$0x2] =	stream.linear.gather [hbm4b:s14+s3], $0x80, $0x38;
	[tilespmem:$0x1E200] =	vst v63  }
.LBB2_2:
0x24: {  	p0 =	sne.s32 s13, $0x7E00;
	[tilespmem:s12+$0x8270] =	vst v0  }
0x25: {  	[tilespmem:s12+$0x8200] =	vst v0  }
0x26: {  	[tilespmem:s12+$0x8210] =	vst v0  }
.Ltmp0:
0x27: {  	[tilespmem:s12+$0x8220] =	vst v0;
	(pc) =	sbr.rel @p0 .LBB2_2-.Ltmp0, $4  }
0x28: {  	[tilespmem:s12+$0x8230] =	vst v0  }
0x29: {  	[tilespmem:s12+$0x8240] =	vst v0  }
0x2a: {  	[tilespmem:s12+$0x8250] =	vst v0  }
0x2b: {  	[tilespmem:s12+$0x8260] =	vst v0;
	s12 =	sshra.s32 s13, $0x2;
	s13 =	sadd.s32 $0x200, s13  }
0x2c: {  	[tilespmem:s12+$0x8270] =	vst v0  }
0x2d: {  	[tilespmem:s12+$0x8200] =	vst v0  }
0x2e: {  	[tilespmem:s12+$0x8210] =	vst v0  }
0x2f: {  	[tilespmem:s12+$0x8220] =	vst v0  }
0x30: {  	[tilespmem:s12+$0x8230] =	vst v0  }
0x31: {  	[tilespmem:s12+$0x8240] =	vst v0  }
0x32: {  	[tilespmem:s12+$0x8250] =	vst v0  }
0x33: {  	[tilespmem:s12+$0x8260] =	vst v0  }
0x34: {  	[spmem:s9] =	stream.linear.scatter [tilespmem:s29], [sflag:$0x7], $0x2000, $0x38;
	[tilespmem:$0x1E200] =	vst v63  }
0x35: {  	_ =	swait.ge [sflag:s30], $0x2000  }
0x36: {  	[sflag:s30] =	ssyncset.done $0x0  }
0x37: {  	s13 =	rddreg [dreg:$0x8];
	[sflag:s30] =	ssyncadd.s32 $0xFFFFE000  }
0x38: {  	[spmem:s13] =	stream.linear.scatter [tilespmem:s29], [sflag:$0x7], $0x2000, $0x38;
	[tilespmem:$0x1E200] =	vst v63  }
0x39: {  	_ =	swait.ge [sflag:s30], $0x2000  }
0x3a: {  	[sflag:s30] =	ssyncset.done $0x0  }
0x3b: {  	s14 =	rddreg [dreg:$0x9];
	[sflag:s30] =	ssyncadd.s32 $0xFFFFE000  }
0x3c: {  	[spmem:s14] =	stream.linear.scatter [tilespmem:s29], [sflag:$0x7], $0x2000, $0x38;
	[tilespmem:$0x1E200] =	vst v63  }
0x3d: {  	_ =	swait.ge [sflag:s30], $0x2000  }
0x3e: {  	[sflag:s30] =	ssyncset.done $0x0  }
0x3f: {  	s13 =	rddreg [dreg:$0xa];
	[sflag:s30] =	ssyncadd.s32 $0xFFFFE000  }
0x40: {  	[spmem:s13] =	stream.linear.scatter [tilespmem:s29], [sflag:$0x7], $0x2000, $0x38;
	[tilespmem:$0x1E200] =	vst v63  }
0x41: {  	_ =	swait.ge [sflag:s30], $0x2000  }
0x42: {  	[sflag:s30] =	ssyncset.done $0x0  }
0x43: {  	s14 =	rddreg [dreg:$0xb];
	[sflag:s30] =	ssyncadd.s32 $0xFFFFE000  }
0x44: {  	[spmem:s14] =	stream.linear.scatter [tilespmem:s29], [sflag:$0x7], $0x2000, $0x38;
	[tilespmem:$0x1E200] =	vst v63  }
0x45: {  	_ =	swait.ge [sflag:s30], $0x2000  }
0x46: {  	[sflag:s30] =	ssyncset.done $0x0  }
0x47: {  	s13 =	rddreg [dreg:$0xc];
	[sflag:s30] =	ssyncadd.s32 $0xFFFFE000  }
0x48: {  	[spmem:s13] =	stream.linear.scatter [tilespmem:s29], [sflag:$0x7], $0x2000, $0x38;
	[tilespmem:$0x1E200] =	vst v63  }
0x49: {  	_ =	swait.ge [sflag:s30], $0x2000  }
0x4a: {  	[sflag:s30] =	ssyncset.done $0x0  }
0x4b: {  	[sflag:s30] =	ssyncadd.s32 $0xFFFFE000  }
0x4c: {  	[spmem:s15] =	stream.linear.scatter [tilespmem:s29], [sflag:$0x7], $0x2000, $0x38;
	[tilespmem:$0x1E200] =	vst v63  }
0x4d: {  	_ =	swait.ge [sflag:s30], $0x2000  }
0x4e: {  	[sflag:s30] =	ssyncset.done $0x0  }
0x4f: {  	[sflag:s30] =	ssyncadd.s32 $0xFFFFE000  }
0x50: {  	[spmem:s16] =	stream.linear.scatter [tilespmem:s29], [sflag:$0x7], $0x2000, $0x38;
	[tilespmem:$0x1E200] =	vst v63  }
0x51: {  	_ =	swait.ge [sflag:s30], $0x2000  }
0x52: {  	[sflag:s30] =	ssyncset.done $0x0  }
0x53: {  	[sflag:s30] =	ssyncadd.s32 $0xFFFFE000  }
0x54: {  	[spmem:s17] =	stream.linear.scatter [tilespmem:s29], [sflag:$0x7], $0x2000, $0x38;
	[tilespmem:$0x1E200] =	vst v63  }
0x55: {  	_ =	swait.ge [sflag:s30], $0x2000  }
0x56: {  	[sflag:s30] =	ssyncset.done $0x0  }
0x57: {  	[sflag:s30] =	ssyncadd.s32 $0xFFFFE000  }
0x58: {  	[spmem:s18] =	stream.linear.scatter [tilespmem:s29], [sflag:$0x7], $0x2000, $0x38;
	[tilespmem:$0x1E200] =	vst v63  }
0x59: {  	_ =	swait.ge [sflag:s30], $0x2000  }
0x5a: {  	[sflag:s30] =	ssyncset.done $0x0  }
0x5b: {  	[sflag:s30] =	ssyncadd.s32 $0xFFFFE000  }
0x5c: {  	_ =	swait.ge [sflag:s31], $0x80  }
0x5d: {  	[sflag:s31] =	ssyncset.done $0x0  }
0x5e: {  	[sflag:s31] =	ssyncadd.s32 $0xFFFFFF80  }
0x5f: {  	_ =	swait.ge [sflag:s31], $0x80  }
0x60: {  	[sflag:s31] =	ssyncset.done $0x0  }
0x61: {  	s14 =	simm.s32 $0x0;
	[sflag:s31] =	ssyncadd.s32 $0xFFFFFF80  }
0x62: {  	[tilespmem:s0], [sflag:$0x3] =	stream.indirect.gather [hbm4b:s4+s26], $0x80, s14, s26, $0xb8;
	[tilespmem:$0x1E200] =	vst v63  }
0x63: {  	_ =	swait.ge [sflag:s1], $0x80  }
0x64: {  	[sflag:s1] =	ssyncset.done $0x0  }
0x65: {  	[sflag:s1] =	ssyncadd.s32 $0xFFFFFF80  }
0x66: {  	_ =	swait.ge [sflag:s1], $0x80  }
0x67: {  	[sflag:s1] =	ssyncset.done $0x0  }
0x68: {  	[sflag:s1] =	ssyncadd.s32 $0xFFFFFF80  }
0x69: {  	[tilespmem:s5], [sflag:$0x4] =	stream.indirect.gather [hbm4b:s4+s26], $0x80, s26, s26, $0xb8;
	[tilespmem:$0x1E200] =	vst v63  }
0x6a: {  	[bflag:$0x0] =	sbarrier.arrive $0xFFFF  }
0x6b: {  	_ =	swait.ge [sflag:s6], $0x4000  }
0x6c: {  	[sflag:s6] =	ssyncset.done $0x0  }
0x6d: {  	[sflag:s6] =	ssyncadd.s32 $0xFFFFC000  }
0x6e: {  	[spmem:s2] =	stream.indirect.scatter.add.f32 [tilespmem:s0], [sflag:$0x5], $0x80, s25, s26, $0xb8;
	[tilespmem:$0x1E200] =	vst v63  }
0x6f: {  	s13 =	sadd.s32 $0x0, s24  }
0x70: {  	[tilespmem:s3], [sflag:$0x1] =	stream.linear.gather [hbm4b:s13+s3], $0x80, $0x38;
	[tilespmem:$0x1E200] =	vst v63  }
0x71: {  	s14 =	sadd.s32 $0x0, s23  }
0x72: {  	[tilespmem:s25], [sflag:$0x1] =	stream.linear.gather [hbm4b:s14+s3], $0x80, $0x38;
	[tilespmem:$0x1E200] =	vst v63  }
0x73: {  	_ =	swait.ge [sflag:s7], $0x4000  }
0x74: {  	[sflag:s7] =	ssyncset.done $0x0  }
0x75: {  	[sflag:s7] =	ssyncadd.s32 $0xFFFFC000  }
0x76: {  	_ =	swait.ge [sflag:s31], $0x80  }
0x77: {  	[sflag:s31] =	ssyncset.done $0x0  }
0x78: {  	[sflag:s31] =	ssyncadd.s32 $0xFFFFFF80  }
0x79: {  	_ =	swait.ge [sflag:s31], $0x80  }
0x7a: {  	[sflag:s31] =	ssyncset.done $0x0  }
0x7b: {  	[sflag:s31] =	ssyncadd.s32 $0xFFFFFF80  }
0x7c: {  	[tilespmem:s0], [sflag:$0x3] =	stream.indirect.gather [hbm4b:s4+s26], $0x80, s3, s26, $0xb8;
	[tilespmem:$0x1E200] =	vst v63  }
0x7d: {  	_ =	swait.ge [sflag:s8], $0x4000  }
0x7e: {  	[sflag:s8] =	ssyncset.done $0x0  }
0x7f: {  	[sflag:s8] =	ssyncadd.s32 $0xFFFFC000  }
0x80: {  	[spmem:s2] =	stream.indirect.scatter.add.f32 [tilespmem:s5], [sflag:$0x6], $0x80, s28, s26, $0xb8;
	[tilespmem:$0x1E200] =	vst v63  }
0x81: {  	s13 =	sadd.s32 $0x0, s22  }
0x82: {  	[tilespmem:s26], [sflag:$0x2] =	stream.linear.gather [hbm4b:s13+s3], $0x80, $0x38;
	[tilespmem:$0x1E200] =	vst v63  }
0x83: {  	s14 =	sadd.s32 $0x0, s21  }
0x84: {  	[tilespmem:s28], [sflag:$0x2] =	stream.linear.gather [hbm4b:s14+s3], $0x80, $0x38;
	[tilespmem:$0x1E200] =	vst v63  }
0x85: {  	_ =	swait.ge [sflag:s10], $0x4000  }
0x86: {  	[sflag:s10] =	ssyncset.done $0x0  }
0x87: {  	[sflag:s10] =	ssyncadd.s32 $0xFFFFC000  }
0x88: {  	_ =	swait.ge [sflag:s1], $0x80  }
0x89: {  	[sflag:s1] =	ssyncset.done $0x0  }
0x8a: {  	[sflag:s1] =	ssyncadd.s32 $0xFFFFFF80  }
0x8b: {  	_ =	swait.ge [sflag:s1], $0x80  }
0x8c: {  	[sflag:s1] =	ssyncset.done $0x0  }
0x8d: {  	s12 =	simm.s32 $0x20;
	[sflag:s1] =	ssyncadd.s32 $0xFFFFFF80  }
.LBB2_4:
0x8e: {  	[tilespmem:s5], [sflag:$0x4] =	stream.indirect.gather [hbm4b:s4+s26], $0x80, s26, s26, $0xb8;
	[tilespmem:$0x1E200] =	vst v63  }
0x8f: {  	s13 =	smov.u32 s12  }
0x90: {  	p0 =	sne.s32 s12, $0x4E0;
	s12 =	sadd.s32 $0x20, s12;
	_ =	swait.ge [sflag:s6], $0x4000  }
0x91: {  	[sflag:s6] =	ssyncset.done $0x0  }
0x92: {  	[sflag:s6] =	ssyncadd.s32 $0xFFFFC000  }
0x93: {  	[spmem:s2] =	stream.indirect.scatter.add.f32 [tilespmem:s0], [sflag:$0x5], $0x80, s25, s26, $0xb8;
	[tilespmem:$0x1E200] =	vst v63  }
0x94: {  	s14 =	sadd.s32 s13, s24  }
0x95: {  	[tilespmem:s3], [sflag:$0x1] =	stream.linear.gather [hbm4b:s14+s3], $0x80, $0x38;
	[tilespmem:$0x1E200] =	vst v63  }
0x96: {  	s14 =	sadd.s32 s13, s23  }
0x97: {  	[tilespmem:s25], [sflag:$0x1] =	stream.linear.gather [hbm4b:s14+s3], $0x80, $0x38;
	[tilespmem:$0x1E200] =	vst v63  }
0x98: {  	_ =	swait.ge [sflag:s7], $0x4000  }
0x99: {  	[sflag:s7] =	ssyncset.done $0x0  }
0x9a: {  	[sflag:s7] =	ssyncadd.s32 $0xFFFFC000  }
0x9b: {  	_ =	swait.ge [sflag:s31], $0x80  }
0x9c: {  	[sflag:s31] =	ssyncset.done $0x0  }
0x9d: {  	[sflag:s31] =	ssyncadd.s32 $0xFFFFFF80  }
0x9e: {  	_ =	swait.ge [sflag:s31], $0x80  }
0x9f: {  	[sflag:s31] =	ssyncset.done $0x0  }
0xa0: {  	[sflag:s31] =	ssyncadd.s32 $0xFFFFFF80  }
0xa1: {  	[tilespmem:s0], [sflag:$0x3] =	stream.indirect.gather [hbm4b:s4+s26], $0x80, s3, s26, $0xb8;
	[tilespmem:$0x1E200] =	vst v63  }
0xa2: {  	_ =	swait.ge [sflag:s8], $0x4000  }
0xa3: {  	[sflag:s8] =	ssyncset.done $0x0  }
0xa4: {  	[sflag:s8] =	ssyncadd.s32 $0xFFFFC000  }
0xa5: {  	[spmem:s2] =	stream.indirect.scatter.add.f32 [tilespmem:s5], [sflag:$0x6], $0x80, s28, s26, $0xb8;
	[tilespmem:$0x1E200] =	vst v63  }
0xa6: {  	s14 =	sadd.s32 s13, s22  }
0xa7: {  	[tilespmem:s26], [sflag:$0x2] =	stream.linear.gather [hbm4b:s14+s3], $0x80, $0x38;
	[tilespmem:$0x1E200] =	vst v63  }
0xa8: {  	s13 =	sadd.s32 s13, s21  }
0xa9: {  	[tilespmem:s28], [sflag:$0x2] =	stream.linear.gather [hbm4b:s13+s3], $0x80, $0x38;
	[tilespmem:$0x1E200] =	vst v63  }
0xaa: {  	_ =	swait.ge [sflag:s10], $0x4000  }
0xab: {  	[sflag:s10] =	ssyncset.done $0x0  }
0xac: {  	[sflag:s10] =	ssyncadd.s32 $0xFFFFC000  }
0xad: {  	_ =	swait.ge [sflag:s1], $0x80  }
.Ltmp1:
0xae: {  	[sflag:s1] =	ssyncset.done $0x0;
	(pc) =	sbr.rel @p0 .LBB2_4-.Ltmp1, $4  }
0xaf: {  	[sflag:s1] =	ssyncadd.s32 $0xFFFFFF80  }
0xb0: {  	_ =	swait.ge [sflag:s1], $0x80  }
0xb1: {  	[sflag:s1] =	ssyncset.done $0x0  }
0xb2: {  	[sflag:s1] =	ssyncadd.s32 $0xFFFFFF80  }
0xb3: {  	[tilespmem:s5], [sflag:$0x4] =	stream.indirect.gather [hbm4b:s4+s26], $0x80, s26, s26, $0xb8;
	[tilespmem:$0x1E200] =	vst v63  }
0xb4: {  	_ =	swait.ge [sflag:s6], $0x4000  }
0xb5: {  	[sflag:s6] =	ssyncset.done $0x0  }
0xb6: {  	[sflag:s6] =	ssyncadd.s32 $0xFFFFC000  }
0xb7: {  	s12 =	stileid.u32;
	_ =	swait.ge [sflag:s8], $0x4000  }
0xb8: {  	s13 =	sshrl.u32 s9, $0x3;
	s11 =	sadd.s32 $0x1, s11;
	[sflag:s8] =	ssyncset.done $0x0  }
0xb9: {  	s12 =	sshll.u32 s12, $0x6;
	p0 =	sne.s32 s11, s20;
	[sflag:s8] =	ssyncadd.s32 $0xFFFFC000  }
.Ltmp2:
0xba: {  	s12 =	sor.u32 $0x1C07, s12;
	[bflag:$0x0] =	sbarrier.arrive $0xFFFF;
	(pc) =	sbr.rel @p0 .LBB2_1-.Ltmp2, $4  }
0xbb: {  	[hbm:s19], [sflag:s12] =	dma.local [spmem:s13], $0x2800  }
0xbc: {  	_ =	swait.ge [sflag:s30], $0x2800  }
0xbd: {  	[sflag:s30] =	ssyncset.done $0x0  }
0xbe: {  	[sflag:s30] =	ssyncadd.s32 $0xFFFFD800  }
0xbf: {  	_ =	sfence.sel $0x180000  }
0xc0: {  	[bflag:$0x0] =	sbarrier.arrive $0xFFFF  }
0xc1: {  	_ =	strace $0x90000047  }
0xc2: {  	s0 =	stileid.u32;
	[bflag:$0x2] =	sbarrier.arrive $0xFFFF  }
0xc3: {  	p0 =	sne.s32 s0, $0x0;
	s0 =	rddreg [dreg:$0x3]  }
0xc4: {  	s0 =	sadd.s32 @!p0 $0x100000, s0  }
0xc5: {  	[sflag:s0] =	ssyncadd.tile.s32 @!p0 $0x1;
	_ =	shalt  }
.Lfunc_end2:
_tile_overlayer_lowered:
.L_overlay_start_2:
0xc6: {  	(tag) =	ssettag $0x2  }
0xc7: {  	s0 =	rddreg [dreg:$0x0];
	s2 =	stileid.u32  }
0xc8: {  	s1 =	rddreg [dreg:$0x1];
	p0 =	sne.s32 s2, $0x0  }
0xc9: {  	s3 =	rddreg [dreg:$0x2];
	[bflag:$0x3] =	sbarrier.arrive $0xFFFF;
	s2 =	simm.s32 @!p0 $0x1C07  }
0xca: {  	[timem:s3], [sflag:s2] =	dma.local @!p0 [hbm:s0], s1  }
0xcb: {  	s0 =	simm.s32 @!p0 $0x7  }
0xcc: {  	_ =	swait.ge @!p0 [sflag:s0], s1  }
0xcd: {  	s1 =	ssub.s32 @!p0 $0x0, s1;
	[sflag:s0] =	ssyncset.done @!p0 $0x0  }
0xce: {  	[sflag:s0] =	ssyncadd.s32 @!p0 s1  }
0xcf: {  	[bflag:$0x3] =	sbarrier.arrive $0xFFFF  }
0xd0: {  	_ =	shalt  }

</sc_bundles>
